<compile_context>
chip_gen: v7x
topology: tpu7x:2x2x1
jax: 0.10.2.dev20260603
libtpu: 0.0.44.dev20260713+nightly
codegen_flags: <defaults>
</compile_context>

<pallas_src>
import functools

import jax
import jax.numpy as jnp
from jax import lax
from jax.experimental import pallas as pl
from jax.experimental.pallas import tpu as pltpu
from jax.experimental.pallas import tpu_sc as plsc

_STRIDE = 64
_NSEL = 64
_NUM_CORES = 2
_NUM_SUBCORES = 16
_NW = _NUM_CORES * _NUM_SUBCORES
_LANES = 16
_CHUNK = 4096
_INNER = 8


def kernel(x):
    b, s, f = x.shape
    assert f == _STRIDE * _NSEL
    total = b * s * _NSEL
    per_w = total // _NW
    nchunks = per_w // _CHUNK
    rows = b * s
    xp = (
        x.reshape(rows // 8, 8, f // 128, 128)
        .transpose(0, 2, 1, 3)
        .reshape(total, _STRIDE)
    )

    mesh = plsc.VectorSubcoreMesh(core_axis_name="c", subcore_axis_name="s")

    @functools.partial(
        pl.kernel,
        mesh=mesh,
        out_type=jax.ShapeDtypeStruct((2 * total,), jnp.float32),
        scratch_types=[
            pltpu.VMEM((3, _CHUNK, _INNER), jnp.float32),
            pltpu.VMEM((2 * _CHUNK,), jnp.float32),
            pltpu.SemaphoreType.DMA,
            pltpu.SemaphoreType.DMA,
            pltpu.SemaphoreType.DMA,
            pltpu.SemaphoreType.DMA,
        ],
        compiler_params=pltpu.CompilerParams(
            use_tc_tiling_on_sc=False, needs_layout_passes=False
        ),
    )
    def run(x_hbm, out_hbm, inbuf, outbuf, in_sem0, in_sem1, in_sem2, out_sem):
        wid = lax.axis_index("s") * _NUM_CORES + lax.axis_index("c")
        base = wid * per_w
        in_sems = (in_sem0, in_sem1, in_sem2)
        lane = lax.iota(jnp.int32, _LANES)
        svr = jnp.left_shift(jnp.right_shift(lane, 1), 4) + jnp.bitwise_and(
            lane, 1
        )
        zeros = jnp.zeros((_LANES,), jnp.int32)

        def fetch(c, slot):
            return pltpu.async_copy(
                x_hbm.at[pl.ds(base + c * _CHUNK, _CHUNK), pl.ds(0, _INNER)],
                inbuf.at[slot],
                in_sems[slot],
            )

        in_pending = [fetch(0, 0), fetch(1, 1)]
        for c in range(nchunks):
            slot = c % 3
            in_pending.pop(0).wait()
            if c + 2 < nchunks:
                in_pending.append(fetch(c + 2, (c + 2) % 3))

            def compact(i, _):
                sbase = (
                    jnp.left_shift(jnp.right_shift(i, 5), 9)
                    + jnp.left_shift(jnp.bitwise_and(i, 3), 7)
                    + jnp.left_shift(jnp.bitwise_and(jnp.right_shift(i, 2), 7), 1)
                )
                src = sbase + svr
                vals = plsc.load_gather(inbuf.at[slot], [src, zeros])
                pbase = jnp.left_shift(jnp.right_shift(i, 2), 7) + jnp.left_shift(
                    jnp.bitwise_and(i, 3), 4
                )
                outbuf[pl.ds(pbase, _LANES)] = vals
                return _

            lax.fori_loop(0, _CHUNK // _LANES, compact, None, unroll=2)
            pltpu.async_copy(
                outbuf,
                out_hbm.at[pl.ds(2 * (base + c * _CHUNK), 2 * _CHUNK)],
                out_sem,
            ).wait()

    return run(xp).reshape(rows, 2 * _NSEL)[:, :_NSEL].reshape(b, s, _NSEL)

# --- scband reference (transcript-rebuilt; emitter-appended) ---
"""Pipeline reference for scband-subset-12403865551692 (READ-ONLY COPY).

The authoritative reference and input builder live on the scoring server;
editing this copy changes nothing except your own understanding.
"""

import jax, jax.numpy as jnp
import numpy as np

INDS = jnp.array([0, 64, 128, 192, 256, 320, 384, 448, 512, 576, 640, 704, 768, 832, 896, 960, 1024, 1088, 1152, 1216, 1280, 1344, 1408, 1472, 1536, 1600, 1664, 1728, 1792, 1856, 1920, 1984, 2048, 2112, 2176, 2240, 2304, 2368, 2432, 2496, 2560, 2624, 2688, 2752, 2816, 2880, 2944, 3008, 3072, 3136, 3200, 3264, 3328, 3392, 3456, 3520, 3584, 3648, 3712, 3776, 3840, 3904, 3968, 4032], dtype=jnp.int32)


def setup_inputs(seed: int = 0) -> dict:
    key = jax.random.key(seed)
    x = jax.random.normal(key, (4, 4096, 4096), dtype=jnp.float32)
    return {"x": x}


def reference(x):
    # Subset.forward: x[..., self.inds] -> gather along last dim
    return jnp.take(x, INDS, axis=-1)

if __name__ == "__main__":
    import jax
    _d = setup_inputs()
    print(jax.jit(kernel)(*tuple(_d.values())))

</pallas_src>

<mosaic_0001>
#map = affine_map<(d0, d1) -> (0, 0)>
#map1 = affine_map<(d0, d1) -> (0)>
module attributes {stable_mosaic.version = 14 : i64} {
  func.func @run(%arg0: i32, %arg1: i32, %arg2: memref<1048576x64xf32, #tpu.memory_space<hbm>>, %arg3: memref<2097152xf32, #tpu.memory_space<hbm>>, %arg4: memref<3x4096x8xf32, #tpu.memory_space<vmem>>, %arg5: memref<8192xf32, #tpu.memory_space<vmem>>, %arg6: memref<!tpu.dma_semaphore, #tpu.memory_space<semaphore_mem>>, %arg7: memref<!tpu.dma_semaphore, #tpu.memory_space<semaphore_mem>>, %arg8: memref<!tpu.dma_semaphore, #tpu.memory_space<semaphore_mem>>, %arg9: memref<!tpu.dma_semaphore, #tpu.memory_space<semaphore_mem>>) attributes {dimension_semantics = [#tpu.dimension_semantics<core_parallel>, #tpu.dimension_semantics<subcore_parallel>], iteration_bounds = array<i64: 2, 16>, scalar_prefetch = 0 : i64, scratch_operands = 6 : i64, tpu.core_type = #tpu.core_type<sc_vector_subcore>, window_params = [{transform_indices = #map}, {transform_indices = #map1}]} {
    %mul3A = arith.constant 2 : i32
    %mul3A_0 = arith.muli %arg1, %mul3A : i32
    %add3A = arith.addi %mul3A_0, %arg0 : i32
    %mul3A_1 = arith.constant 32768 : i32
    %mul3A_2 = arith.muli %add3A, %mul3A_1 : i32
    %iota3A = tpu.iota {dimensions = array<i32: 0>} : vector<16xi32>
    %shift_right_arithmetic3A = arith.constant 1 : i32
    %shift_right_arithmetic3A_3 = vector.broadcast %shift_right_arithmetic3A : i32 to vector<16xi32>
    %shift_right_arithmetic3A_4 = arith.shrsi %iota3A, %shift_right_arithmetic3A_3 : vector<16xi32>
    %shift_left3A = arith.constant 4 : i32
    %shift_left3A_5 = vector.broadcast %shift_left3A : i32 to vector<16xi32>
    %shift_left3A_6 = arith.shli %shift_right_arithmetic3A_4, %shift_left3A_5 : vector<16xi32>
    %and3A = arith.constant 1 : i32
    %and3A_7 = vector.broadcast %and3A : i32 to vector<16xi32>
    %and3A_8 = arith.andi %iota3A, %and3A_7 : vector<16xi32>
    %add3A_9 = arith.addi %shift_left3A_6, %and3A_8 : vector<16xi32>
    %broadcast_in_dim3A = arith.constant 0 : i32
    %broadcast_in_dim3A_10 = vector.broadcast %broadcast_in_dim3A : i32 to vector<16xi32>
    %add3A_11 = arith.constant 0 : i32
    %add3A_12 = arith.addi %mul3A_2, %add3A_11 : i32
    %dma_start3A = arith.constant 0 : i32
    %dma_start3A_13 = arith.constant 0 : i32
    %dma_start3A_14 = arith.constant 0 : i32
    %dma_start3A_15 = tpu.memref_slice %arg4[%dma_start3A, %dma_start3A_13, %dma_start3A_14] : memref<3x4096x8xf32, #tpu.memory_space<vmem>> -> memref<1x4096x8xf32, #tpu.memory_space<vmem>>
    %dma_start3A_16 = tpu.memref_squeeze %dma_start3A_15 : memref<1x4096x8xf32, #tpu.memory_space<vmem>> -> memref<4096x8xf32, #tpu.memory_space<vmem>>
    %dma_start3A_17 = arith.constant 0 : i32
    %dma_start3A_18 = tpu.memref_slice %arg2[%add3A_12, %dma_start3A_17] : memref<1048576x64xf32, #tpu.memory_space<hbm>> -> memref<4096x8xf32, #tpu.memory_space<hbm>>
    %dma_start3A_19 = arith.constant 0 : i32
    %dma_start3A_20 = arith.constant 0 : i32
    %dma_start3A_21 = tpu.memref_slice %arg4[%dma_start3A, %dma_start3A_19, %dma_start3A_20] : memref<3x4096x8xf32, #tpu.memory_space<vmem>> -> memref<1x4096x8xf32, #tpu.memory_space<vmem>>
    %dma_start3A_22 = tpu.memref_squeeze %dma_start3A_21 : memref<1x4096x8xf32, #tpu.memory_space<vmem>> -> memref<4096x8xf32, #tpu.memory_space<vmem>>
    %dma_start3A_23 = arith.constant 0 : i32
    %dma_start3A_24 = tpu.memref_slice %arg2[%add3A_12, %dma_start3A_23] : memref<1048576x64xf32, #tpu.memory_space<hbm>> -> memref<4096x8xf32, #tpu.memory_space<hbm>>
    tpu.enqueue_dma source(%dma_start3A_24 : memref<4096x8xf32, #tpu.memory_space<hbm>>) target(%dma_start3A_22 : memref<4096x8xf32, #tpu.memory_space<vmem>>) target_semaphore(%arg6 : memref<!tpu.dma_semaphore, #tpu.memory_space<semaphore_mem>>)
    %add3A_25 = arith.constant 4096 : i32
    %add3A_26 = arith.addi %mul3A_2, %add3A_25 : i32
    %dma_start3A_27 = arith.constant 1 : i32
    %dma_start3A_28 = arith.constant 0 : i32
    %dma_start3A_29 = arith.constant 0 : i32
    %dma_start3A_30 = tpu.memref_slice %arg4[%dma_start3A_27, %dma_start3A_28, %dma_start3A_29] : memref<3x4096x8xf32, #tpu.memory_space<vmem>> -> memref<1x4096x8xf32, #tpu.memory_space<vmem>>
    %dma_start3A_31 = tpu.memref_squeeze %dma_start3A_30 : memref<1x4096x8xf32, #tpu.memory_space<vmem>> -> memref<4096x8xf32, #tpu.memory_space<vmem>>
    %dma_start3A_32 = arith.constant 0 : i32
    %dma_start3A_33 = tpu.memref_slice %arg2[%add3A_26, %dma_start3A_32] : memref<1048576x64xf32, #tpu.memory_space<hbm>> -> memref<4096x8xf32, #tpu.memory_space<hbm>>
    %dma_start3A_34 = arith.constant 0 : i32
    %dma_start3A_35 = arith.constant 0 : i32
    %dma_start3A_36 = tpu.memref_slice %arg4[%dma_start3A_27, %dma_start3A_34, %dma_start3A_35] : memref<3x4096x8xf32, #tpu.memory_space<vmem>> -> memref<1x4096x8xf32, #tpu.memory_space<vmem>>
    %dma_start3A_37 = tpu.memref_squeeze %dma_start3A_36 : memref<1x4096x8xf32, #tpu.memory_space<vmem>> -> memref<4096x8xf32, #tpu.memory_space<vmem>>
    %dma_start3A_38 = arith.constant 0 : i32
    %dma_start3A_39 = tpu.memref_slice %arg2[%add3A_26, %dma_start3A_38] : memref<1048576x64xf32, #tpu.memory_space<hbm>> -> memref<4096x8xf32, #tpu.memory_space<hbm>>
    tpu.enqueue_dma source(%dma_start3A_39 : memref<4096x8xf32, #tpu.memory_space<hbm>>) target(%dma_start3A_37 : memref<4096x8xf32, #tpu.memory_space<vmem>>) target_semaphore(%arg7 : memref<!tpu.dma_semaphore, #tpu.memory_space<semaphore_mem>>)
    %dma_wait3A = arith.constant 0 : i32
    %dma_wait3A_40 = arith.constant 0 : i32
    %dma_wait3A_41 = arith.constant 0 : i32
    %dma_wait3A_42 = tpu.memref_slice %arg4[%dma_wait3A, %dma_wait3A_40, %dma_wait3A_41] : memref<3x4096x8xf32, #tpu.memory_space<vmem>> -> memref<1x4096x8xf32, #tpu.memory_space<vmem>>
    %dma_wait3A_43 = tpu.memref_squeeze %dma_wait3A_42 : memref<1x4096x8xf32, #tpu.memory_space<vmem>> -> memref<4096x8xf32, #tpu.memory_space<vmem>>
    %dma_wait3A_44 = arith.constant 0 : i32
    %dma_wait3A_45 = tpu.memref_slice %arg2[%add3A_12, %dma_wait3A_44] : memref<1048576x64xf32, #tpu.memory_space<hbm>> -> memref<4096x8xf32, #tpu.memory_space<hbm>>
    %dma_wait3A_46 = arith.constant 0 : i32
    %dma_wait3A_47 = arith.constant 0 : i32
    %dma_wait3A_48 = tpu.memref_slice %arg4[%dma_wait3A, %dma_wait3A_46, %dma_wait3A_47] : memref<3x4096x8xf32, #tpu.memory_space<vmem>> -> memref<1x4096x8xf32, #tpu.memory_space<vmem>>
    %dma_wait3A_49 = tpu.memref_squeeze %dma_wait3A_48 : memref<1x4096x8xf32, #tpu.memory_space<vmem>> -> memref<4096x8xf32, #tpu.memory_space<vmem>>
    %dma_wait3A_50 = arith.constant 0 : i32
    %dma_wait3A_51 = tpu.memref_slice %arg2[%add3A_12, %dma_wait3A_50] : memref<1048576x64xf32, #tpu.memory_space<hbm>> -> memref<4096x8xf32, #tpu.memory_space<hbm>>
    tpu.wait_dma2 semaphore(%arg6 : memref<!tpu.dma_semaphore, #tpu.memory_space<semaphore_mem>>) src(%dma_wait3A_51 : memref<4096x8xf32, #tpu.memory_space<hbm>>) dst(%dma_wait3A_49 : memref<4096x8xf32, #tpu.memory_space<vmem>>)
    %add3A_52 = arith.constant 8192 : i32
    %add3A_53 = arith.addi %mul3A_2, %add3A_52 : i32
    %dma_start3A_54 = arith.constant 2 : i32
    %dma_start3A_55 = arith.constant 0 : i32
    %dma_start3A_56 = arith.constant 0 : i32
    %dma_start3A_57 = tpu.memref_slice %arg4[%dma_start3A_54, %dma_start3A_55, %dma_start3A_56] : memref<3x4096x8xf32, #tpu.memory_space<vmem>> -> memref<1x4096x8xf32, #tpu.memory_space<vmem>>
    %dma_start3A_58 = tpu.memref_squeeze %dma_start3A_57 : memref<1x4096x8xf32, #tpu.memory_space<vmem>> -> memref<4096x8xf32, #tpu.memory_space<vmem>>
    %dma_start3A_59 = arith.constant 0 : i32
    %dma_start3A_60 = tpu.memref_slice %arg2[%add3A_53, %dma_start3A_59] : memref<1048576x64xf32, #tpu.memory_space<hbm>> -> memref<4096x8xf32, #tpu.memory_space<hbm>>
    %dma_start3A_61 = arith.constant 0 : i32
    %dma_start3A_62 = arith.constant 0 : i32
    %dma_start3A_63 = tpu.memref_slice %arg4[%dma_start3A_54, %dma_start3A_61, %dma_start3A_62] : memref<3x4096x8xf32, #tpu.memory_space<vmem>> -> memref<1x4096x8xf32, #tpu.memory_space<vmem>>
    %dma_start3A_64 = tpu.memref_squeeze %dma_start3A_63 : memref<1x4096x8xf32, #tpu.memory_space<vmem>> -> memref<4096x8xf32, #tpu.memory_space<vmem>>
    %dma_start3A_65 = arith.constant 0 : i32
    %dma_start3A_66 = tpu.memref_slice %arg2[%add3A_53, %dma_start3A_65] : memref<1048576x64xf32, #tpu.memory_space<hbm>> -> memref<4096x8xf32, #tpu.memory_space<hbm>>
    tpu.enqueue_dma source(%dma_start3A_66 : memref<4096x8xf32, #tpu.memory_space<hbm>>) target(%dma_start3A_64 : memref<4096x8xf32, #tpu.memory_space<vmem>>) target_semaphore(%arg8 : memref<!tpu.dma_semaphore, #tpu.memory_space<semaphore_mem>>)
    %scan3A = arith.constant 0 : i32
    %scan3A_67 = arith.constant 256 : i32
    %scan3A_68 = arith.addi %scan3A, %scan3A_67 : i32
    %scan3A_69 = arith.constant 2 : i32
    scf.for %scan3A_336 = %scan3A to %scan3A_68 step %scan3A_69  : i32 {
      %shift_right_arithmetic3A_337 = arith.constant 5 : i32
      %shift_right_arithmetic3A_338 = arith.shrsi %scan3A_336, %shift_right_arithmetic3A_337 : i32
      %shift_left3A_339 = arith.constant 9 : i32
      %shift_left3A_340 = arith.shli %shift_right_arithmetic3A_338, %shift_left3A_339 : i32
      %and3A_341 = arith.constant 3 : i32
      %and3A_342 = arith.andi %scan3A_336, %and3A_341 : i32
      %shift_left3A_343 = arith.constant 7 : i32
      %shift_left3A_344 = arith.shli %and3A_342, %shift_left3A_343 : i32
      %add3A_345 = arith.addi %shift_left3A_340, %shift_left3A_344 : i32
      %shift_right_arithmetic3A_346 = arith.constant 2 : i32
      %shift_right_arithmetic3A_347 = arith.shrsi %scan3A_336, %shift_right_arithmetic3A_346 : i32
      %and3A_348 = arith.constant 7 : i32
      %and3A_349 = arith.andi %shift_right_arithmetic3A_347, %and3A_348 : i32
      %shift_left3A_350 = arith.constant 1 : i32
      %shift_left3A_351 = arith.shli %and3A_349, %shift_left3A_350 : i32
      %add3A_352 = arith.addi %add3A_345, %shift_left3A_351 : i32
      %add3A_353 = vector.broadcast %add3A_352 : i32 to vector<16xi32>
      %add3A_354 = arith.addi %add3A_353, %add3A_9 : vector<16xi32>
      %gather3A = arith.constant 0 : i32
      %gather3A_355 = arith.constant 0 : i32
      %gather3A_356 = arith.constant 0 : i32
      %gather3A_357 = tpu.memref_slice %arg4[%gather3A, %gather3A_355, %gather3A_356] : memref<3x4096x8xf32, #tpu.memory_space<vmem>> -> memref<1x4096x8xf32, #tpu.memory_space<vmem>>
      %gather3A_358 = tpu.memref_squeeze %gather3A_357 : memref<1x4096x8xf32, #tpu.memory_space<vmem>> -> memref<4096x8xf32, #tpu.memory_space<vmem>>
      %gather3A_359 = tpu.vector_load_idx %gather3A_358[%add3A_354, %broadcast_in_dim3A_10] : memref<4096x8xf32, #tpu.memory_space<vmem>>[vector<16xi32>, vector<16xi32>], vector<16xf32>,
      %shift_right_arithmetic3A_360 = arith.constant 2 : i32
      %shift_right_arithmetic3A_361 = arith.shrsi %scan3A_336, %shift_right_arithmetic3A_360 : i32
      %shift_left3A_362 = arith.constant 7 : i32
      %shift_left3A_363 = arith.shli %shift_right_arithmetic3A_361, %shift_left3A_362 : i32
      %and3A_364 = arith.constant 3 : i32
      %and3A_365 = arith.andi %scan3A_336, %and3A_364 : i32
      %shift_left3A_366 = arith.constant 4 : i32
      %shift_left3A_367 = arith.shli %and3A_365, %shift_left3A_366 : i32
      %add3A_368 = arith.addi %shift_left3A_363, %shift_left3A_367 : i32
      %swap3A = arith.index_cast %add3A_368 : i32 to index
      %swap3A_369 = tpu.vector_load %arg5[%swap3A] {strides = array<i32>} : memref<8192xf32, #tpu.memory_space<vmem>>, vector<16xf32>,
      tpu.vector_store %arg5[%swap3A], %gather3A_359 {strides = array<i32>} : memref<8192xf32, #tpu.memory_space<vmem>>, vector<16xf32>,
      %scan3A_370 = arith.constant 1 : i32
      %scan3A_371 = arith.addi %scan3A_336, %scan3A_370 : i32
      %shift_right_arithmetic3A_372 = arith.constant 5 : i32
      %shift_right_arithmetic3A_373 = arith.shrsi %scan3A_371, %shift_right_arithmetic3A_372 : i32
      %shift_left3A_374 = arith.constant 9 : i32
      %shift_left3A_375 = arith.shli %shift_right_arithmetic3A_373, %shift_left3A_374 : i32
      %and3A_376 = arith.constant 3 : i32
      %and3A_377 = arith.andi %scan3A_371, %and3A_376 : i32
      %shift_left3A_378 = arith.constant 7 : i32
      %shift_left3A_379 = arith.shli %and3A_377, %shift_left3A_378 : i32
      %add3A_380 = arith.addi %shift_left3A_375, %shift_left3A_379 : i32
      %shift_right_arithmetic3A_381 = arith.constant 2 : i32
      %shift_right_arithmetic3A_382 = arith.shrsi %scan3A_371, %shift_right_arithmetic3A_381 : i32
      %and3A_383 = arith.constant 7 : i32
      %and3A_384 = arith.andi %shift_right_arithmetic3A_382, %and3A_383 : i32
      %shift_left3A_385 = arith.constant 1 : i32
      %shift_left3A_386 = arith.shli %and3A_384, %shift_left3A_385 : i32
      %add3A_387 = arith.addi %add3A_380, %shift_left3A_386 : i32
      %add3A_388 = vector.broadcast %add3A_387 : i32 to vector<16xi32>
      %add3A_389 = arith.addi %add3A_388, %add3A_9 : vector<16xi32>
      %gather3A_390 = arith.constant 0 : i32
      %gather3A_391 = arith.constant 0 : i32
      %gather3A_392 = arith.constant 0 : i32
      %gather3A_393 = tpu.memref_slice %arg4[%gather3A_390, %gather3A_391, %gather3A_392] : memref<3x4096x8xf32, #tpu.memory_space<vmem>> -> memref<1x4096x8xf32, #tpu.memory_space<vmem>>
      %gather3A_394 = tpu.memref_squeeze %gather3A_393 : memref<1x4096x8xf32, #tpu.memory_space<vmem>> -> memref<4096x8xf32, #tpu.memory_space<vmem>>
      %gather3A_395 = tpu.vector_load_idx %gather3A_394[%add3A_389, %broadcast_in_dim3A_10] : memref<4096x8xf32, #tpu.memory_space<vmem>>[vector<16xi32>, vector<16xi32>], vector<16xf32>,
      %shift_right_arithmetic3A_396 = arith.constant 2 : i32
      %shift_right_arithmetic3A_397 = arith.shrsi %scan3A_371, %shift_right_arithmetic3A_396 : i32
      %shift_left3A_398 = arith.constant 7 : i32
      %shift_left3A_399 = arith.shli %shift_right_arithmetic3A_397, %shift_left3A_398 : i32
      %and3A_400 = arith.constant 3 : i32
      %and3A_401 = arith.andi %scan3A_371, %and3A_400 : i32
      %shift_left3A_402 = arith.constant 4 : i32
      %shift_left3A_403 = arith.shli %and3A_401, %shift_left3A_402 : i32
      %add3A_404 = arith.addi %shift_left3A_399, %shift_left3A_403 : i32
      %swap3A_405 = arith.index_cast %add3A_404 : i32 to index
      %swap3A_406 = tpu.vector_load %arg5[%swap3A_405] {strides = array<i32>} : memref<8192xf32, #tpu.memory_space<vmem>>, vector<16xf32>,
      tpu.vector_store %arg5[%swap3A_405], %gather3A_395 {strides = array<i32>} : memref<8192xf32, #tpu.memory_space<vmem>>, vector<16xf32>,
    }
    %scan3A_70 = arith.constant 256 : i32
    %add3A_71 = arith.constant 0 : i32
    %add3A_72 = arith.addi %mul3A_2, %add3A_71 : i32
    %mul3A_73 = arith.constant 2 : i32
    %mul3A_74 = arith.muli %mul3A_73, %add3A_72 : i32
    %dma_start3A_75 = tpu.memref_slice %arg3[%mul3A_74] : memref<2097152xf32, #tpu.memory_space<hbm>> -> memref<8192xf32, #tpu.memory_space<hbm>>
    %dma_start3A_76 = tpu.memref_slice %arg3[%mul3A_74] : memref<2097152xf32, #tpu.memory_space<hbm>> -> memref<8192xf32, #tpu.memory_space<hbm>>
    tpu.enqueue_dma source(%arg5 : memref<8192xf32, #tpu.memory_space<vmem>>) target(%dma_start3A_76 : memref<8192xf32, #tpu.memory_space<hbm>>) target_semaphore(%arg9 : memref<!tpu.dma_semaphore, #tpu.memory_space<semaphore_mem>>)
    %dma_wait3A_77 = tpu.memref_slice %arg3[%mul3A_74] : memref<2097152xf32, #tpu.memory_space<hbm>> -> memref<8192xf32, #tpu.memory_space<hbm>>
    %dma_wait3A_78 = tpu.memref_slice %arg3[%mul3A_74] : memref<2097152xf32, #tpu.memory_space<hbm>> -> memref<8192xf32, #tpu.memory_space<hbm>>
    tpu.wait_dma2 semaphore(%arg9 : memref<!tpu.dma_semaphore, #tpu.memory_space<semaphore_mem>>) src(%arg5 : memref<8192xf32, #tpu.memory_space<vmem>>) dst(%dma_wait3A_78 : memref<8192xf32, #tpu.memory_space<hbm>>)
    %dma_wait3A_79 = arith.constant 1 : i32
    %dma_wait3A_80 = arith.constant 0 : i32
    %dma_wait3A_81 = arith.constant 0 : i32
    %dma_wait3A_82 = tpu.memref_slice %arg4[%dma_wait3A_79, %dma_wait3A_80, %dma_wait3A_81] : memref<3x4096x8xf32, #tpu.memory_space<vmem>> -> memref<1x4096x8xf32, #tpu.memory_space<vmem>>
    %dma_wait3A_83 = tpu.memref_squeeze %dma_wait3A_82 : memref<1x4096x8xf32, #tpu.memory_space<vmem>> -> memref<4096x8xf32, #tpu.memory_space<vmem>>
    %dma_wait3A_84 = arith.constant 0 : i32
    %dma_wait3A_85 = tpu.memref_slice %arg2[%add3A_26, %dma_wait3A_84] : memref<1048576x64xf32, #tpu.memory_space<hbm>> -> memref<4096x8xf32, #tpu.memory_space<hbm>>
    %dma_wait3A_86 = arith.constant 0 : i32
    %dma_wait3A_87 = arith.constant 0 : i32
    %dma_wait3A_88 = tpu.memref_slice %arg4[%dma_wait3A_79, %dma_wait3A_86, %dma_wait3A_87] : memref<3x4096x8xf32, #tpu.memory_space<vmem>> -> memref<1x4096x8xf32, #tpu.memory_space<vmem>>
    %dma_wait3A_89 = tpu.memref_squeeze %dma_wait3A_88 : memref<1x4096x8xf32, #tpu.memory_space<vmem>> -> memref<4096x8xf32, #tpu.memory_space<vmem>>
    %dma_wait3A_90 = arith.constant 0 : i32
    %dma_wait3A_91 = tpu.memref_slice %arg2[%add3A_26, %dma_wait3A_90] : memref<1048576x64xf32, #tpu.memory_space<hbm>> -> memref<4096x8xf32, #tpu.memory_space<hbm>>
    tpu.wait_dma2 semaphore(%arg7 : memref<!tpu.dma_semaphore, #tpu.memory_space<semaphore_mem>>) src(%dma_wait3A_91 : memref<4096x8xf32, #tpu.memory_space<hbm>>) dst(%dma_wait3A_89 : memref<4096x8xf32, #tpu.memory_space<vmem>>)
    %add3A_92 = arith.constant 12288 : i32
    %add3A_93 = arith.addi %mul3A_2, %add3A_92 : i32
    %dma_start3A_94 = arith.constant 0 : i32
    %dma_start3A_95 = arith.constant 0 : i32
    %dma_start3A_96 = arith.constant 0 : i32
    %dma_start3A_97 = tpu.memref_slice %arg4[%dma_start3A_94, %dma_start3A_95, %dma_start3A_96] : memref<3x4096x8xf32, #tpu.memory_space<vmem>> -> memref<1x4096x8xf32, #tpu.memory_space<vmem>>
    %dma_start3A_98 = tpu.memref_squeeze %dma_start3A_97 : memref<1x4096x8xf32, #tpu.memory_space<vmem>> -> memref<4096x8xf32, #tpu.memory_space<vmem>>
    %dma_start3A_99 = arith.constant 0 : i32
    %dma_start3A_100 = tpu.memref_slice %arg2[%add3A_93, %dma_start3A_99] : memref<1048576x64xf32, #tpu.memory_space<hbm>> -> memref<4096x8xf32, #tpu.memory_space<hbm>>
    %dma_start3A_101 = arith.constant 0 : i32
    %dma_start3A_102 = arith.constant 0 : i32
    %dma_start3A_103 = tpu.memref_slice %arg4[%dma_start3A_94, %dma_start3A_101, %dma_start3A_102] : memref<3x4096x8xf32, #tpu.memory_space<vmem>> -> memref<1x4096x8xf32, #tpu.memory_space<vmem>>
    %dma_start3A_104 = tpu.memref_squeeze %dma_start3A_103 : memref<1x4096x8xf32, #tpu.memory_space<vmem>> -> memref<4096x8xf32, #tpu.memory_space<vmem>>
    %dma_start3A_105 = arith.constant 0 : i32
    %dma_start3A_106 = tpu.memref_slice %arg2[%add3A_93, %dma_start3A_105] : memref<1048576x64xf32, #tpu.memory_space<hbm>> -> memref<4096x8xf32, #tpu.memory_space<hbm>>
    tpu.enqueue_dma source(%dma_start3A_106 : memref<4096x8xf32, #tpu.memory_space<hbm>>) target(%dma_start3A_104 : memref<4096x8xf32, #tpu.memory_space<vmem>>) target_semaphore(%arg6 : memref<!tpu.dma_semaphore, #tpu.memory_space<semaphore_mem>>)
    %scan3A_107 = arith.constant 0 : i32
    %scan3A_108 = arith.constant 256 : i32
    %scan3A_109 = arith.addi %scan3A_107, %scan3A_108 : i32
    %scan3A_110 = arith.constant 2 : i32
    scf.for %scan3A_336 = %scan3A_107 to %scan3A_109 step %scan3A_110  : i32 {
      %shift_right_arithmetic3A_337 = arith.constant 5 : i32
      %shift_right_arithmetic3A_338 = arith.shrsi %scan3A_336, %shift_right_arithmetic3A_337 : i32
      %shift_left3A_339 = arith.constant 9 : i32
      %shift_left3A_340 = arith.shli %shift_right_arithmetic3A_338, %shift_left3A_339 : i32
      %and3A_341 = arith.constant 3 : i32
      %and3A_342 = arith.andi %scan3A_336, %and3A_341 : i32
      %shift_left3A_343 = arith.constant 7 : i32
      %shift_left3A_344 = arith.shli %and3A_342, %shift_left3A_343 : i32
      %add3A_345 = arith.addi %shift_left3A_340, %shift_left3A_344 : i32
      %shift_right_arithmetic3A_346 = arith.constant 2 : i32
      %shift_right_arithmetic3A_347 = arith.shrsi %scan3A_336, %shift_right_arithmetic3A_346 : i32
      %and3A_348 = arith.constant 7 : i32
      %and3A_349 = arith.andi %shift_right_arithmetic3A_347, %and3A_348 : i32
      %shift_left3A_350 = arith.constant 1 : i32
      %shift_left3A_351 = arith.shli %and3A_349, %shift_left3A_350 : i32
      %add3A_352 = arith.addi %add3A_345, %shift_left3A_351 : i32
      %add3A_353 = vector.broadcast %add3A_352 : i32 to vector<16xi32>
      %add3A_354 = arith.addi %add3A_353, %add3A_9 : vector<16xi32>
      %gather3A = arith.constant 1 : i32
      %gather3A_355 = arith.constant 0 : i32
      %gather3A_356 = arith.constant 0 : i32
      %gather3A_357 = tpu.memref_slice %arg4[%gather3A, %gather3A_355, %gather3A_356] : memref<3x4096x8xf32, #tpu.memory_space<vmem>> -> memref<1x4096x8xf32, #tpu.memory_space<vmem>>
      %gather3A_358 = tpu.memref_squeeze %gather3A_357 : memref<1x4096x8xf32, #tpu.memory_space<vmem>> -> memref<4096x8xf32, #tpu.memory_space<vmem>>
      %gather3A_359 = tpu.vector_load_idx %gather3A_358[%add3A_354, %broadcast_in_dim3A_10] : memref<4096x8xf32, #tpu.memory_space<vmem>>[vector<16xi32>, vector<16xi32>], vector<16xf32>,
      %shift_right_arithmetic3A_360 = arith.constant 2 : i32
      %shift_right_arithmetic3A_361 = arith.shrsi %scan3A_336, %shift_right_arithmetic3A_360 : i32
      %shift_left3A_362 = arith.constant 7 : i32
      %shift_left3A_363 = arith.shli %shift_right_arithmetic3A_361, %shift_left3A_362 : i32
      %and3A_364 = arith.constant 3 : i32
      %and3A_365 = arith.andi %scan3A_336, %and3A_364 : i32
      %shift_left3A_366 = arith.constant 4 : i32
      %shift_left3A_367 = arith.shli %and3A_365, %shift_left3A_366 : i32
      %add3A_368 = arith.addi %shift_left3A_363, %shift_left3A_367 : i32
      %swap3A = arith.index_cast %add3A_368 : i32 to index
      %swap3A_369 = tpu.vector_load %arg5[%swap3A] {strides = array<i32>} : memref<8192xf32, #tpu.memory_space<vmem>>, vector<16xf32>,
      tpu.vector_store %arg5[%swap3A], %gather3A_359 {strides = array<i32>} : memref<8192xf32, #tpu.memory_space<vmem>>, vector<16xf32>,
      %scan3A_370 = arith.constant 1 : i32
      %scan3A_371 = arith.addi %scan3A_336, %scan3A_370 : i32
      %shift_right_arithmetic3A_372 = arith.constant 5 : i32
      %shift_right_arithmetic3A_373 = arith.shrsi %scan3A_371, %shift_right_arithmetic3A_372 : i32
      %shift_left3A_374 = arith.constant 9 : i32
      %shift_left3A_375 = arith.shli %shift_right_arithmetic3A_373, %shift_left3A_374 : i32
      %and3A_376 = arith.constant 3 : i32
      %and3A_377 = arith.andi %scan3A_371, %and3A_376 : i32
      %shift_left3A_378 = arith.constant 7 : i32
      %shift_left3A_379 = arith.shli %and3A_377, %shift_left3A_378 : i32
      %add3A_380 = arith.addi %shift_left3A_375, %shift_left3A_379 : i32
      %shift_right_arithmetic3A_381 = arith.constant 2 : i32
      %shift_right_arithmetic3A_382 = arith.shrsi %scan3A_371, %shift_right_arithmetic3A_381 : i32
      %and3A_383 = arith.constant 7 : i32
      %and3A_384 = arith.andi %shift_right_arithmetic3A_382, %and3A_383 : i32
      %shift_left3A_385 = arith.constant 1 : i32
      %shift_left3A_386 = arith.shli %and3A_384, %shift_left3A_385 : i32
      %add3A_387 = arith.addi %add3A_380, %shift_left3A_386 : i32
      %add3A_388 = vector.broadcast %add3A_387 : i32 to vector<16xi32>
      %add3A_389 = arith.addi %add3A_388, %add3A_9 : vector<16xi32>
      %gather3A_390 = arith.constant 1 : i32
      %gather3A_391 = arith.constant 0 : i32
      %gather3A_392 = arith.constant 0 : i32
      %gather3A_393 = tpu.memref_slice %arg4[%gather3A_390, %gather3A_391, %gather3A_392] : memref<3x4096x8xf32, #tpu.memory_space<vmem>> -> memref<1x4096x8xf32, #tpu.memory_space<vmem>>
      %gather3A_394 = tpu.memref_squeeze %gather3A_393 : memref<1x4096x8xf32, #tpu.memory_space<vmem>> -> memref<4096x8xf32, #tpu.memory_space<vmem>>
      %gather3A_395 = tpu.vector_load_idx %gather3A_394[%add3A_389, %broadcast_in_dim3A_10] : memref<4096x8xf32, #tpu.memory_space<vmem>>[vector<16xi32>, vector<16xi32>], vector<16xf32>,
      %shift_right_arithmetic3A_396 = arith.constant 2 : i32
      %shift_right_arithmetic3A_397 = arith.shrsi %scan3A_371, %shift_right_arithmetic3A_396 : i32
      %shift_left3A_398 = arith.constant 7 : i32
      %shift_left3A_399 = arith.shli %shift_right_arithmetic3A_397, %shift_left3A_398 : i32
      %and3A_400 = arith.constant 3 : i32
      %and3A_401 = arith.andi %scan3A_371, %and3A_400 : i32
      %shift_left3A_402 = arith.constant 4 : i32
      %shift_left3A_403 = arith.shli %and3A_401, %shift_left3A_402 : i32
      %add3A_404 = arith.addi %shift_left3A_399, %shift_left3A_403 : i32
      %swap3A_405 = arith.index_cast %add3A_404 : i32 to index
      %swap3A_406 = tpu.vector_load %arg5[%swap3A_405] {strides = array<i32>} : memref<8192xf32, #tpu.memory_space<vmem>>, vector<16xf32>,
      tpu.vector_store %arg5[%swap3A_405], %gather3A_395 {strides = array<i32>} : memref<8192xf32, #tpu.memory_space<vmem>>, vector<16xf32>,
    }
    %scan3A_111 = arith.constant 256 : i32
    %add3A_112 = arith.constant 4096 : i32
    %add3A_113 = arith.addi %mul3A_2, %add3A_112 : i32
    %mul3A_114 = arith.constant 2 : i32
    %mul3A_115 = arith.muli %mul3A_114, %add3A_113 : i32
    %dma_start3A_116 = tpu.memref_slice %arg3[%mul3A_115] : memref<2097152xf32, #tpu.memory_space<hbm>> -> memref<8192xf32, #tpu.memory_space<hbm>>
    %dma_start3A_117 = tpu.memref_slice %arg3[%mul3A_115] : memref<2097152xf32, #tpu.memory_space<hbm>> -> memref<8192xf32, #tpu.memory_space<hbm>>
    tpu.enqueue_dma source(%arg5 : memref<8192xf32, #tpu.memory_space<vmem>>) target(%dma_start3A_117 : memref<8192xf32, #tpu.memory_space<hbm>>) target_semaphore(%arg9 : memref<!tpu.dma_semaphore, #tpu.memory_space<semaphore_mem>>)
    %dma_wait3A_118 = tpu.memref_slice %arg3[%mul3A_115] : memref<2097152xf32, #tpu.memory_space<hbm>> -> memref<8192xf32, #tpu.memory_space<hbm>>
    %dma_wait3A_119 = tpu.memref_slice %arg3[%mul3A_115] : memref<2097152xf32, #tpu.memory_space<hbm>> -> memref<8192xf32, #tpu.memory_space<hbm>>
    tpu.wait_dma2 semaphore(%arg9 : memref<!tpu.dma_semaphore, #tpu.memory_space<semaphore_mem>>) src(%arg5 : memref<8192xf32, #tpu.memory_space<vmem>>) dst(%dma_wait3A_119 : memref<8192xf32, #tpu.memory_space<hbm>>)
    %dma_wait3A_120 = arith.constant 2 : i32
    %dma_wait3A_121 = arith.constant 0 : i32
    %dma_wait3A_122 = arith.constant 0 : i32
    %dma_wait3A_123 = tpu.memref_slice %arg4[%dma_wait3A_120, %dma_wait3A_121, %dma_wait3A_122] : memref<3x4096x8xf32, #tpu.memory_space<vmem>> -> memref<1x4096x8xf32, #tpu.memory_space<vmem>>
    %dma_wait3A_124 = tpu.memref_squeeze %dma_wait3A_123 : memref<1x4096x8xf32, #tpu.memory_space<vmem>> -> memref<4096x8xf32, #tpu.memory_space<vmem>>
    %dma_wait3A_125 = arith.constant 0 : i32
    %dma_wait3A_126 = tpu.memref_slice %arg2[%add3A_53, %dma_wait3A_125] : memref<1048576x64xf32, #tpu.memory_space<hbm>> -> memref<4096x8xf32, #tpu.memory_space<hbm>>
    %dma_wait3A_127 = arith.constant 0 : i32
    %dma_wait3A_128 = arith.constant 0 : i32
    %dma_wait3A_129 = tpu.memref_slice %arg4[%dma_wait3A_120, %dma_wait3A_127, %dma_wait3A_128] : memref<3x4096x8xf32, #tpu.memory_space<vmem>> -> memref<1x4096x8xf32, #tpu.memory_space<vmem>>
    %dma_wait3A_130 = tpu.memref_squeeze %dma_wait3A_129 : memref<1x4096x8xf32, #tpu.memory_space<vmem>> -> memref<4096x8xf32, #tpu.memory_space<vmem>>
    %dma_wait3A_131 = arith.constant 0 : i32
    %dma_wait3A_132 = tpu.memref_slice %arg2[%add3A_53, %dma_wait3A_131] : memref<1048576x64xf32, #tpu.memory_space<hbm>> -> memref<4096x8xf32, #tpu.memory_space<hbm>>
    tpu.wait_dma2 semaphore(%arg8 : memref<!tpu.dma_semaphore, #tpu.memory_space<semaphore_mem>>) src(%dma_wait3A_132 : memref<4096x8xf32, #tpu.memory_space<hbm>>) dst(%dma_wait3A_130 : memref<4096x8xf32, #tpu.memory_space<vmem>>)
    %add3A_133 = arith.constant 16384 : i32
    %add3A_134 = arith.addi %mul3A_2, %add3A_133 : i32
    %dma_start3A_135 = arith.constant 1 : i32
    %dma_start3A_136 = arith.constant 0 : i32
    %dma_start3A_137 = arith.constant 0 : i32
    %dma_start3A_138 = tpu.memref_slice %arg4[%dma_start3A_135, %dma_start3A_136, %dma_start3A_137] : memref<3x4096x8xf32, #tpu.memory_space<vmem>> -> memref<1x4096x8xf32, #tpu.memory_space<vmem>>
    %dma_start3A_139 = tpu.memref_squeeze %dma_start3A_138 : memref<1x4096x8xf32, #tpu.memory_space<vmem>> -> memref<4096x8xf32, #tpu.memory_space<vmem>>
    %dma_start3A_140 = arith.constant 0 : i32
    %dma_start3A_141 = tpu.memref_slice %arg2[%add3A_134, %dma_start3A_140] : memref<1048576x64xf32, #tpu.memory_space<hbm>> -> memref<4096x8xf32, #tpu.memory_space<hbm>>
    %dma_start3A_142 = arith.constant 0 : i32
    %dma_start3A_143 = arith.constant 0 : i32
    %dma_start3A_144 = tpu.memref_slice %arg4[%dma_start3A_135, %dma_start3A_142, %dma_start3A_143] : memref<3x4096x8xf32, #tpu.memory_space<vmem>> -> memref<1x4096x8xf32, #tpu.memory_space<vmem>>
    %dma_start3A_145 = tpu.memref_squeeze %dma_start3A_144 : memref<1x4096x8xf32, #tpu.memory_space<vmem>> -> memref<4096x8xf32, #tpu.memory_space<vmem>>
    %dma_start3A_146 = arith.constant 0 : i32
    %dma_start3A_147 = tpu.memref_slice %arg2[%add3A_134, %dma_start3A_146] : memref<1048576x64xf32, #tpu.memory_space<hbm>> -> memref<4096x8xf32, #tpu.memory_space<hbm>>
    tpu.enqueue_dma source(%dma_start3A_147 : memref<4096x8xf32, #tpu.memory_space<hbm>>) target(%dma_start3A_145 : memref<4096x8xf32, #tpu.memory_space<vmem>>) target_semaphore(%arg7 : memref<!tpu.dma_semaphore, #tpu.memory_space<semaphore_mem>>)
    %scan3A_148 = arith.constant 0 : i32
    %scan3A_149 = arith.constant 256 : i32
    %scan3A_150 = arith.addi %scan3A_148, %scan3A_149 : i32
    %scan3A_151 = arith.constant 2 : i32
    scf.for %scan3A_336 = %scan3A_148 to %scan3A_150 step %scan3A_151  : i32 {
      %shift_right_arithmetic3A_337 = arith.constant 5 : i32
      %shift_right_arithmetic3A_338 = arith.shrsi %scan3A_336, %shift_right_arithmetic3A_337 : i32
      %shift_left3A_339 = arith.constant 9 : i32
      %shift_left3A_340 = arith.shli %shift_right_arithmetic3A_338, %shift_left3A_339 : i32
      %and3A_341 = arith.constant 3 : i32
      %and3A_342 = arith.andi %scan3A_336, %and3A_341 : i32
      %shift_left3A_343 = arith.constant 7 : i32
      %shift_left3A_344 = arith.shli %and3A_342, %shift_left3A_343 : i32
      %add3A_345 = arith.addi %shift_left3A_340, %shift_left3A_344 : i32
      %shift_right_arithmetic3A_346 = arith.constant 2 : i32
      %shift_right_arithmetic3A_347 = arith.shrsi %scan3A_336, %shift_right_arithmetic3A_346 : i32
      %and3A_348 = arith.constant 7 : i32
      %and3A_349 = arith.andi %shift_right_arithmetic3A_347, %and3A_348 : i32
      %shift_left3A_350 = arith.constant 1 : i32
      %shift_left3A_351 = arith.shli %and3A_349, %shift_left3A_350 : i32
      %add3A_352 = arith.addi %add3A_345, %shift_left3A_351 : i32
      %add3A_353 = vector.broadcast %add3A_352 : i32 to vector<16xi32>
      %add3A_354 = arith.addi %add3A_353, %add3A_9 : vector<16xi32>
      %gather3A = arith.constant 2 : i32
      %gather3A_355 = arith.constant 0 : i32
      %gather3A_356 = arith.constant 0 : i32
      %gather3A_357 = tpu.memref_slice %arg4[%gather3A, %gather3A_355, %gather3A_356] : memref<3x4096x8xf32, #tpu.memory_space<vmem>> -> memref<1x4096x8xf32, #tpu.memory_space<vmem>>
      %gather3A_358 = tpu.memref_squeeze %gather3A_357 : memref<1x4096x8xf32, #tpu.memory_space<vmem>> -> memref<4096x8xf32, #tpu.memory_space<vmem>>
      %gather3A_359 = tpu.vector_load_idx %gather3A_358[%add3A_354, %broadcast_in_dim3A_10] : memref<4096x8xf32, #tpu.memory_space<vmem>>[vector<16xi32>, vector<16xi32>], vector<16xf32>,
      %shift_right_arithmetic3A_360 = arith.constant 2 : i32
      %shift_right_arithmetic3A_361 = arith.shrsi %scan3A_336, %shift_right_arithmetic3A_360 : i32
      %shift_left3A_362 = arith.constant 7 : i32
      %shift_left3A_363 = arith.shli %shift_right_arithmetic3A_361, %shift_left3A_362 : i32
      %and3A_364 = arith.constant 3 : i32
      %and3A_365 = arith.andi %scan3A_336, %and3A_364 : i32
      %shift_left3A_366 = arith.constant 4 : i32
      %shift_left3A_367 = arith.shli %and3A_365, %shift_left3A_366 : i32
      %add3A_368 = arith.addi %shift_left3A_363, %shift_left3A_367 : i32
      %swap3A = arith.index_cast %add3A_368 : i32 to index
      %swap3A_369 = tpu.vector_load %arg5[%swap3A] {strides = array<i32>} : memref<8192xf32, #tpu.memory_space<vmem>>, vector<16xf32>,
      tpu.vector_store %arg5[%swap3A], %gather3A_359 {strides = array<i32>} : memref<8192xf32, #tpu.memory_space<vmem>>, vector<16xf32>,
      %scan3A_370 = arith.constant 1 : i32
      %scan3A_371 = arith.addi %scan3A_336, %scan3A_370 : i32
      %shift_right_arithmetic3A_372 = arith.constant 5 : i32
      %shift_right_arithmetic3A_373 = arith.shrsi %scan3A_371, %shift_right_arithmetic3A_372 : i32
      %shift_left3A_374 = arith.constant 9 : i32
      %shift_left3A_375 = arith.shli %shift_right_arithmetic3A_373, %shift_left3A_374 : i32
      %and3A_376 = arith.constant 3 : i32
      %and3A_377 = arith.andi %scan3A_371, %and3A_376 : i32
      %shift_left3A_378 = arith.constant 7 : i32
      %shift_left3A_379 = arith.shli %and3A_377, %shift_left3A_378 : i32
      %add3A_380 = arith.addi %shift_left3A_375, %shift_left3A_379 : i32
      %shift_right_arithmetic3A_381 = arith.constant 2 : i32
      %shift_right_arithmetic3A_382 = arith.shrsi %scan3A_371, %shift_right_arithmetic3A_381 : i32
      %and3A_383 = arith.constant 7 : i32
      %and3A_384 = arith.andi %shift_right_arithmetic3A_382, %and3A_383 : i32
      %shift_left3A_385 = arith.constant 1 : i32
      %shift_left3A_386 = arith.shli %and3A_384, %shift_left3A_385 : i32
      %add3A_387 = arith.addi %add3A_380, %shift_left3A_386 : i32
      %add3A_388 = vector.broadcast %add3A_387 : i32 to vector<16xi32>
      %add3A_389 = arith.addi %add3A_388, %add3A_9 : vector<16xi32>
      %gather3A_390 = arith.constant 2 : i32
      %gather3A_391 = arith.constant 0 : i32
      %gather3A_392 = arith.constant 0 : i32
      %gather3A_393 = tpu.memref_slice %arg4[%gather3A_390, %gather3A_391, %gather3A_392] : memref<3x4096x8xf32, #tpu.memory_space<vmem>> -> memref<1x4096x8xf32, #tpu.memory_space<vmem>>
      %gather3A_394 = tpu.memref_squeeze %gather3A_393 : memref<1x4096x8xf32, #tpu.memory_space<vmem>> -> memref<4096x8xf32, #tpu.memory_space<vmem>>
      %gather3A_395 = tpu.vector_load_idx %gather3A_394[%add3A_389, %broadcast_in_dim3A_10] : memref<4096x8xf32, #tpu.memory_space<vmem>>[vector<16xi32>, vector<16xi32>], vector<16xf32>,
      %shift_right_arithmetic3A_396 = arith.constant 2 : i32
      %shift_right_arithmetic3A_397 = arith.shrsi %scan3A_371, %shift_right_arithmetic3A_396 : i32
      %shift_left3A_398 = arith.constant 7 : i32
      %shift_left3A_399 = arith.shli %shift_right_arithmetic3A_397, %shift_left3A_398 : i32
      %and3A_400 = arith.constant 3 : i32
      %and3A_401 = arith.andi %scan3A_371, %and3A_400 : i32
      %shift_left3A_402 = arith.constant 4 : i32
      %shift_left3A_403 = arith.shli %and3A_401, %shift_left3A_402 : i32
      %add3A_404 = arith.addi %shift_left3A_399, %shift_left3A_403 : i32
      %swap3A_405 = arith.index_cast %add3A_404 : i32 to index
      %swap3A_406 = tpu.vector_load %arg5[%swap3A_405] {strides = array<i32>} : memref<8192xf32, #tpu.memory_space<vmem>>, vector<16xf32>,
      tpu.vector_store %arg5[%swap3A_405], %gather3A_395 {strides = array<i32>} : memref<8192xf32, #tpu.memory_space<vmem>>, vector<16xf32>,
    }
    %scan3A_152 = arith.constant 256 : i32
    %add3A_153 = arith.constant 8192 : i32
    %add3A_154 = arith.addi %mul3A_2, %add3A_153 : i32
    %mul3A_155 = arith.constant 2 : i32
    %mul3A_156 = arith.muli %mul3A_155, %add3A_154 : i32
    %dma_start3A_157 = tpu.memref_slice %arg3[%mul3A_156] : memref<2097152xf32, #tpu.memory_space<hbm>> -> memref<8192xf32, #tpu.memory_space<hbm>>
    %dma_start3A_158 = tpu.memref_slice %arg3[%mul3A_156] : memref<2097152xf32, #tpu.memory_space<hbm>> -> memref<8192xf32, #tpu.memory_space<hbm>>
    tpu.enqueue_dma source(%arg5 : memref<8192xf32, #tpu.memory_space<vmem>>) target(%dma_start3A_158 : memref<8192xf32, #tpu.memory_space<hbm>>) target_semaphore(%arg9 : memref<!tpu.dma_semaphore, #tpu.memory_space<semaphore_mem>>)
    %dma_wait3A_159 = tpu.memref_slice %arg3[%mul3A_156] : memref<2097152xf32, #tpu.memory_space<hbm>> -> memref<8192xf32, #tpu.memory_space<hbm>>
    %dma_wait3A_160 = tpu.memref_slice %arg3[%mul3A_156] : memref<2097152xf32, #tpu.memory_space<hbm>> -> memref<8192xf32, #tpu.memory_space<hbm>>
    tpu.wait_dma2 semaphore(%arg9 : memref<!tpu.dma_semaphore, #tpu.memory_space<semaphore_mem>>) src(%arg5 : memref<8192xf32, #tpu.memory_space<vmem>>) dst(%dma_wait3A_160 : memref<8192xf32, #tpu.memory_space<hbm>>)
    %dma_wait3A_161 = arith.constant 0 : i32
    %dma_wait3A_162 = arith.constant 0 : i32
    %dma_wait3A_163 = arith.constant 0 : i32
    %dma_wait3A_164 = tpu.memref_slice %arg4[%dma_wait3A_161, %dma_wait3A_162, %dma_wait3A_163] : memref<3x4096x8xf32, #tpu.memory_space<vmem>> -> memref<1x4096x8xf32, #tpu.memory_space<vmem>>
    %dma_wait3A_165 = tpu.memref_squeeze %dma_wait3A_164 : memref<1x4096x8xf32, #tpu.memory_space<vmem>> -> memref<4096x8xf32, #tpu.memory_space<vmem>>
    %dma_wait3A_166 = arith.constant 0 : i32
    %dma_wait3A_167 = tpu.memref_slice %arg2[%add3A_93, %dma_wait3A_166] : memref<1048576x64xf32, #tpu.memory_space<hbm>> -> memref<4096x8xf32, #tpu.memory_space<hbm>>
    %dma_wait3A_168 = arith.constant 0 : i32
    %dma_wait3A_169 = arith.constant 0 : i32
    %dma_wait3A_170 = tpu.memref_slice %arg4[%dma_wait3A_161, %dma_wait3A_168, %dma_wait3A_169] : memref<3x4096x8xf32, #tpu.memory_space<vmem>> -> memref<1x4096x8xf32, #tpu.memory_space<vmem>>
    %dma_wait3A_171 = tpu.memref_squeeze %dma_wait3A_170 : memref<1x4096x8xf32, #tpu.memory_space<vmem>> -> memref<4096x8xf32, #tpu.memory_space<vmem>>
    %dma_wait3A_172 = arith.constant 0 : i32
    %dma_wait3A_173 = tpu.memref_slice %arg2[%add3A_93, %dma_wait3A_172] : memref<1048576x64xf32, #tpu.memory_space<hbm>> -> memref<4096x8xf32, #tpu.memory_space<hbm>>
    tpu.wait_dma2 semaphore(%arg6 : memref<!tpu.dma_semaphore, #tpu.memory_space<semaphore_mem>>) src(%dma_wait3A_173 : memref<4096x8xf32, #tpu.memory_space<hbm>>) dst(%dma_wait3A_171 : memref<4096x8xf32, #tpu.memory_space<vmem>>)
    %add3A_174 = arith.constant 20480 : i32
    %add3A_175 = arith.addi %mul3A_2, %add3A_174 : i32
    %dma_start3A_176 = arith.constant 2 : i32
    %dma_start3A_177 = arith.constant 0 : i32
    %dma_start3A_178 = arith.constant 0 : i32
    %dma_start3A_179 = tpu.memref_slice %arg4[%dma_start3A_176, %dma_start3A_177, %dma_start3A_178] : memref<3x4096x8xf32, #tpu.memory_space<vmem>> -> memref<1x4096x8xf32, #tpu.memory_space<vmem>>
    %dma_start3A_180 = tpu.memref_squeeze %dma_start3A_179 : memref<1x4096x8xf32, #tpu.memory_space<vmem>> -> memref<4096x8xf32, #tpu.memory_space<vmem>>
    %dma_start3A_181 = arith.constant 0 : i32
    %dma_start3A_182 = tpu.memref_slice %arg2[%add3A_175, %dma_start3A_181] : memref<1048576x64xf32, #tpu.memory_space<hbm>> -> memref<4096x8xf32, #tpu.memory_space<hbm>>
    %dma_start3A_183 = arith.constant 0 : i32
    %dma_start3A_184 = arith.constant 0 : i32
    %dma_start3A_185 = tpu.memref_slice %arg4[%dma_start3A_176, %dma_start3A_183, %dma_start3A_184] : memref<3x4096x8xf32, #tpu.memory_space<vmem>> -> memref<1x4096x8xf32, #tpu.memory_space<vmem>>
    %dma_start3A_186 = tpu.memref_squeeze %dma_start3A_185 : memref<1x4096x8xf32, #tpu.memory_space<vmem>> -> memref<4096x8xf32, #tpu.memory_space<vmem>>
    %dma_start3A_187 = arith.constant 0 : i32
    %dma_start3A_188 = tpu.memref_slice %arg2[%add3A_175, %dma_start3A_187] : memref<1048576x64xf32, #tpu.memory_space<hbm>> -> memref<4096x8xf32, #tpu.memory_space<hbm>>
    tpu.enqueue_dma source(%dma_start3A_188 : memref<4096x8xf32, #tpu.memory_space<hbm>>) target(%dma_start3A_186 : memref<4096x8xf32, #tpu.memory_space<vmem>>) target_semaphore(%arg8 : memref<!tpu.dma_semaphore, #tpu.memory_space<semaphore_mem>>)
    %scan3A_189 = arith.constant 0 : i32
    %scan3A_190 = arith.constant 256 : i32
    %scan3A_191 = arith.addi %scan3A_189, %scan3A_190 : i32
    %scan3A_192 = arith.constant 2 : i32
    scf.for %scan3A_336 = %scan3A_189 to %scan3A_191 step %scan3A_192  : i32 {
      %shift_right_arithmetic3A_337 = arith.constant 5 : i32
      %shift_right_arithmetic3A_338 = arith.shrsi %scan3A_336, %shift_right_arithmetic3A_337 : i32
      %shift_left3A_339 = arith.constant 9 : i32
      %shift_left3A_340 = arith.shli %shift_right_arithmetic3A_338, %shift_left3A_339 : i32
      %and3A_341 = arith.constant 3 : i32
      %and3A_342 = arith.andi %scan3A_336, %and3A_341 : i32
      %shift_left3A_343 = arith.constant 7 : i32
      %shift_left3A_344 = arith.shli %and3A_342, %shift_left3A_343 : i32
      %add3A_345 = arith.addi %shift_left3A_340, %shift_left3A_344 : i32
      %shift_right_arithmetic3A_346 = arith.constant 2 : i32
      %shift_right_arithmetic3A_347 = arith.shrsi %scan3A_336, %shift_right_arithmetic3A_346 : i32
      %and3A_348 = arith.constant 7 : i32
      %and3A_349 = arith.andi %shift_right_arithmetic3A_347, %and3A_348 : i32
      %shift_left3A_350 = arith.constant 1 : i32
      %shift_left3A_351 = arith.shli %and3A_349, %shift_left3A_350 : i32
      %add3A_352 = arith.addi %add3A_345, %shift_left3A_351 : i32
      %add3A_353 = vector.broadcast %add3A_352 : i32 to vector<16xi32>
      %add3A_354 = arith.addi %add3A_353, %add3A_9 : vector<16xi32>
      %gather3A = arith.constant 0 : i32
      %gather3A_355 = arith.constant 0 : i32
      %gather3A_356 = arith.constant 0 : i32
      %gather3A_357 = tpu.memref_slice %arg4[%gather3A, %gather3A_355, %gather3A_356] : memref<3x4096x8xf32, #tpu.memory_space<vmem>> -> memref<1x4096x8xf32, #tpu.memory_space<vmem>>
      %gather3A_358 = tpu.memref_squeeze %gather3A_357 : memref<1x4096x8xf32, #tpu.memory_space<vmem>> -> memref<4096x8xf32, #tpu.memory_space<vmem>>
      %gather3A_359 = tpu.vector_load_idx %gather3A_358[%add3A_354, %broadcast_in_dim3A_10] : memref<4096x8xf32, #tpu.memory_space<vmem>>[vector<16xi32>, vector<16xi32>], vector<16xf32>,
      %shift_right_arithmetic3A_360 = arith.constant 2 : i32
      %shift_right_arithmetic3A_361 = arith.shrsi %scan3A_336, %shift_right_arithmetic3A_360 : i32
      %shift_left3A_362 = arith.constant 7 : i32
      %shift_left3A_363 = arith.shli %shift_right_arithmetic3A_361, %shift_left3A_362 : i32
      %and3A_364 = arith.constant 3 : i32
      %and3A_365 = arith.andi %scan3A_336, %and3A_364 : i32
      %shift_left3A_366 = arith.constant 4 : i32
      %shift_left3A_367 = arith.shli %and3A_365, %shift_left3A_366 : i32
      %add3A_368 = arith.addi %shift_left3A_363, %shift_left3A_367 : i32
      %swap3A = arith.index_cast %add3A_368 : i32 to index
      %swap3A_369 = tpu.vector_load %arg5[%swap3A] {strides = array<i32>} : memref<8192xf32, #tpu.memory_space<vmem>>, vector<16xf32>,
      tpu.vector_store %arg5[%swap3A], %gather3A_359 {strides = array<i32>} : memref<8192xf32, #tpu.memory_space<vmem>>, vector<16xf32>,
      %scan3A_370 = arith.constant 1 : i32
      %scan3A_371 = arith.addi %scan3A_336, %scan3A_370 : i32
      %shift_right_arithmetic3A_372 = arith.constant 5 : i32
      %shift_right_arithmetic3A_373 = arith.shrsi %scan3A_371, %shift_right_arithmetic3A_372 : i32
      %shift_left3A_374 = arith.constant 9 : i32
      %shift_left3A_375 = arith.shli %shift_right_arithmetic3A_373, %shift_left3A_374 : i32
      %and3A_376 = arith.constant 3 : i32
      %and3A_377 = arith.andi %scan3A_371, %and3A_376 : i32
      %shift_left3A_378 = arith.constant 7 : i32
      %shift_left3A_379 = arith.shli %and3A_377, %shift_left3A_378 : i32
      %add3A_380 = arith.addi %shift_left3A_375, %shift_left3A_379 : i32
      %shift_right_arithmetic3A_381 = arith.constant 2 : i32
      %shift_right_arithmetic3A_382 = arith.shrsi %scan3A_371, %shift_right_arithmetic3A_381 : i32
      %and3A_383 = arith.constant 7 : i32
      %and3A_384 = arith.andi %shift_right_arithmetic3A_382, %and3A_383 : i32
      %shift_left3A_385 = arith.constant 1 : i32
      %shift_left3A_386 = arith.shli %and3A_384, %shift_left3A_385 : i32
      %add3A_387 = arith.addi %add3A_380, %shift_left3A_386 : i32
      %add3A_388 = vector.broadcast %add3A_387 : i32 to vector<16xi32>
      %add3A_389 = arith.addi %add3A_388, %add3A_9 : vector<16xi32>
      %gather3A_390 = arith.constant 0 : i32
      %gather3A_391 = arith.constant 0 : i32
      %gather3A_392 = arith.constant 0 : i32
      %gather3A_393 = tpu.memref_slice %arg4[%gather3A_390, %gather3A_391, %gather3A_392] : memref<3x4096x8xf32, #tpu.memory_space<vmem>> -> memref<1x4096x8xf32, #tpu.memory_space<vmem>>
      %gather3A_394 = tpu.memref_squeeze %gather3A_393 : memref<1x4096x8xf32, #tpu.memory_space<vmem>> -> memref<4096x8xf32, #tpu.memory_space<vmem>>
      %gather3A_395 = tpu.vector_load_idx %gather3A_394[%add3A_389, %broadcast_in_dim3A_10] : memref<4096x8xf32, #tpu.memory_space<vmem>>[vector<16xi32>, vector<16xi32>], vector<16xf32>,
      %shift_right_arithmetic3A_396 = arith.constant 2 : i32
      %shift_right_arithmetic3A_397 = arith.shrsi %scan3A_371, %shift_right_arithmetic3A_396 : i32
      %shift_left3A_398 = arith.constant 7 : i32
      %shift_left3A_399 = arith.shli %shift_right_arithmetic3A_397, %shift_left3A_398 : i32
      %and3A_400 = arith.constant 3 : i32
      %and3A_401 = arith.andi %scan3A_371, %and3A_400 : i32
      %shift_left3A_402 = arith.constant 4 : i32
      %shift_left3A_403 = arith.shli %and3A_401, %shift_left3A_402 : i32
      %add3A_404 = arith.addi %shift_left3A_399, %shift_left3A_403 : i32
      %swap3A_405 = arith.index_cast %add3A_404 : i32 to index
      %swap3A_406 = tpu.vector_load %arg5[%swap3A_405] {strides = array<i32>} : memref<8192xf32, #tpu.memory_space<vmem>>, vector<16xf32>,
      tpu.vector_store %arg5[%swap3A_405], %gather3A_395 {strides = array<i32>} : memref<8192xf32, #tpu.memory_space<vmem>>, vector<16xf32>,
    }
    %scan3A_193 = arith.constant 256 : i32
    %add3A_194 = arith.constant 12288 : i32
    %add3A_195 = arith.addi %mul3A_2, %add3A_194 : i32
    %mul3A_196 = arith.constant 2 : i32
    %mul3A_197 = arith.muli %mul3A_196, %add3A_195 : i32
    %dma_start3A_198 = tpu.memref_slice %arg3[%mul3A_197] : memref<2097152xf32, #tpu.memory_space<hbm>> -> memref<8192xf32, #tpu.memory_space<hbm>>
    %dma_start3A_199 = tpu.memref_slice %arg3[%mul3A_197] : memref<2097152xf32, #tpu.memory_space<hbm>> -> memref<8192xf32, #tpu.memory_space<hbm>>
    tpu.enqueue_dma source(%arg5 : memref<8192xf32, #tpu.memory_space<vmem>>) target(%dma_start3A_199 : memref<8192xf32, #tpu.memory_space<hbm>>) target_semaphore(%arg9 : memref<!tpu.dma_semaphore, #tpu.memory_space<semaphore_mem>>)
    %dma_wait3A_200 = tpu.memref_slice %arg3[%mul3A_197] : memref<2097152xf32, #tpu.memory_space<hbm>> -> memref<8192xf32, #tpu.memory_space<hbm>>
    %dma_wait3A_201 = tpu.memref_slice %arg3[%mul3A_197] : memref<2097152xf32, #tpu.memory_space<hbm>> -> memref<8192xf32, #tpu.memory_space<hbm>>
    tpu.wait_dma2 semaphore(%arg9 : memref<!tpu.dma_semaphore, #tpu.memory_space<semaphore_mem>>) src(%arg5 : memref<8192xf32, #tpu.memory_space<vmem>>) dst(%dma_wait3A_201 : memref<8192xf32, #tpu.memory_space<hbm>>)
    %dma_wait3A_202 = arith.constant 1 : i32
    %dma_wait3A_203 = arith.constant 0 : i32
    %dma_wait3A_204 = arith.constant 0 : i32
    %dma_wait3A_205 = tpu.memref_slice %arg4[%dma_wait3A_202, %dma_wait3A_203, %dma_wait3A_204] : memref<3x4096x8xf32, #tpu.memory_space<vmem>> -> memref<1x4096x8xf32, #tpu.memory_space<vmem>>
    %dma_wait3A_206 = tpu.memref_squeeze %dma_wait3A_205 : memref<1x4096x8xf32, #tpu.memory_space<vmem>> -> memref<4096x8xf32, #tpu.memory_space<vmem>>
    %dma_wait3A_207 = arith.constant 0 : i32
    %dma_wait3A_208 = tpu.memref_slice %arg2[%add3A_134, %dma_wait3A_207] : memref<1048576x64xf32, #tpu.memory_space<hbm>> -> memref<4096x8xf32, #tpu.memory_space<hbm>>
    %dma_wait3A_209 = arith.constant 0 : i32
    %dma_wait3A_210 = arith.constant 0 : i32
    %dma_wait3A_211 = tpu.memref_slice %arg4[%dma_wait3A_202, %dma_wait3A_209, %dma_wait3A_210] : memref<3x4096x8xf32, #tpu.memory_space<vmem>> -> memref<1x4096x8xf32, #tpu.memory_space<vmem>>
    %dma_wait3A_212 = tpu.memref_squeeze %dma_wait3A_211 : memref<1x4096x8xf32, #tpu.memory_space<vmem>> -> memref<4096x8xf32, #tpu.memory_space<vmem>>
    %dma_wait3A_213 = arith.constant 0 : i32
    %dma_wait3A_214 = tpu.memref_slice %arg2[%add3A_134, %dma_wait3A_213] : memref<1048576x64xf32, #tpu.memory_space<hbm>> -> memref<4096x8xf32, #tpu.memory_space<hbm>>
    tpu.wait_dma2 semaphore(%arg7 : memref<!tpu.dma_semaphore, #tpu.memory_space<semaphore_mem>>) src(%dma_wait3A_214 : memref<4096x8xf32, #tpu.memory_space<hbm>>) dst(%dma_wait3A_212 : memref<4096x8xf32, #tpu.memory_space<vmem>>)
    %add3A_215 = arith.constant 24576 : i32
    %add3A_216 = arith.addi %mul3A_2, %add3A_215 : i32
    %dma_start3A_217 = arith.constant 0 : i32
    %dma_start3A_218 = arith.constant 0 : i32
    %dma_start3A_219 = arith.constant 0 : i32
    %dma_start3A_220 = tpu.memref_slice %arg4[%dma_start3A_217, %dma_start3A_218, %dma_start3A_219] : memref<3x4096x8xf32, #tpu.memory_space<vmem>> -> memref<1x4096x8xf32, #tpu.memory_space<vmem>>
    %dma_start3A_221 = tpu.memref_squeeze %dma_start3A_220 : memref<1x4096x8xf32, #tpu.memory_space<vmem>> -> memref<4096x8xf32, #tpu.memory_space<vmem>>
    %dma_start3A_222 = arith.constant 0 : i32
    %dma_start3A_223 = tpu.memref_slice %arg2[%add3A_216, %dma_start3A_222] : memref<1048576x64xf32, #tpu.memory_space<hbm>> -> memref<4096x8xf32, #tpu.memory_space<hbm>>
    %dma_start3A_224 = arith.constant 0 : i32
    %dma_start3A_225 = arith.constant 0 : i32
    %dma_start3A_226 = tpu.memref_slice %arg4[%dma_start3A_217, %dma_start3A_224, %dma_start3A_225] : memref<3x4096x8xf32, #tpu.memory_space<vmem>> -> memref<1x4096x8xf32, #tpu.memory_space<vmem>>
    %dma_start3A_227 = tpu.memref_squeeze %dma_start3A_226 : memref<1x4096x8xf32, #tpu.memory_space<vmem>> -> memref<4096x8xf32, #tpu.memory_space<vmem>>
    %dma_start3A_228 = arith.constant 0 : i32
    %dma_start3A_229 = tpu.memref_slice %arg2[%add3A_216, %dma_start3A_228] : memref<1048576x64xf32, #tpu.memory_space<hbm>> -> memref<4096x8xf32, #tpu.memory_space<hbm>>
    tpu.enqueue_dma source(%dma_start3A_229 : memref<4096x8xf32, #tpu.memory_space<hbm>>) target(%dma_start3A_227 : memref<4096x8xf32, #tpu.memory_space<vmem>>) target_semaphore(%arg6 : memref<!tpu.dma_semaphore, #tpu.memory_space<semaphore_mem>>)
    %scan3A_230 = arith.constant 0 : i32
    %scan3A_231 = arith.constant 256 : i32
    %scan3A_232 = arith.addi %scan3A_230, %scan3A_231 : i32
    %scan3A_233 = arith.constant 2 : i32
    scf.for %scan3A_336 = %scan3A_230 to %scan3A_232 step %scan3A_233  : i32 {
      %shift_right_arithmetic3A_337 = arith.constant 5 : i32
      %shift_right_arithmetic3A_338 = arith.shrsi %scan3A_336, %shift_right_arithmetic3A_337 : i32
      %shift_left3A_339 = arith.constant 9 : i32
      %shift_left3A_340 = arith.shli %shift_right_arithmetic3A_338, %shift_left3A_339 : i32
      %and3A_341 = arith.constant 3 : i32
      %and3A_342 = arith.andi %scan3A_336, %and3A_341 : i32
      %shift_left3A_343 = arith.constant 7 : i32
      %shift_left3A_344 = arith.shli %and3A_342, %shift_left3A_343 : i32
      %add3A_345 = arith.addi %shift_left3A_340, %shift_left3A_344 : i32
      %shift_right_arithmetic3A_346 = arith.constant 2 : i32
      %shift_right_arithmetic3A_347 = arith.shrsi %scan3A_336, %shift_right_arithmetic3A_346 : i32
      %and3A_348 = arith.constant 7 : i32
      %and3A_349 = arith.andi %shift_right_arithmetic3A_347, %and3A_348 : i32
      %shift_left3A_350 = arith.constant 1 : i32
      %shift_left3A_351 = arith.shli %and3A_349, %shift_left3A_350 : i32
      %add3A_352 = arith.addi %add3A_345, %shift_left3A_351 : i32
      %add3A_353 = vector.broadcast %add3A_352 : i32 to vector<16xi32>
      %add3A_354 = arith.addi %add3A_353, %add3A_9 : vector<16xi32>
      %gather3A = arith.constant 1 : i32
      %gather3A_355 = arith.constant 0 : i32
      %gather3A_356 = arith.constant 0 : i32
      %gather3A_357 = tpu.memref_slice %arg4[%gather3A, %gather3A_355, %gather3A_356] : memref<3x4096x8xf32, #tpu.memory_space<vmem>> -> memref<1x4096x8xf32, #tpu.memory_space<vmem>>
      %gather3A_358 = tpu.memref_squeeze %gather3A_357 : memref<1x4096x8xf32, #tpu.memory_space<vmem>> -> memref<4096x8xf32, #tpu.memory_space<vmem>>
      %gather3A_359 = tpu.vector_load_idx %gather3A_358[%add3A_354, %broadcast_in_dim3A_10] : memref<4096x8xf32, #tpu.memory_space<vmem>>[vector<16xi32>, vector<16xi32>], vector<16xf32>,
      %shift_right_arithmetic3A_360 = arith.constant 2 : i32
      %shift_right_arithmetic3A_361 = arith.shrsi %scan3A_336, %shift_right_arithmetic3A_360 : i32
      %shift_left3A_362 = arith.constant 7 : i32
      %shift_left3A_363 = arith.shli %shift_right_arithmetic3A_361, %shift_left3A_362 : i32
      %and3A_364 = arith.constant 3 : i32
      %and3A_365 = arith.andi %scan3A_336, %and3A_364 : i32
      %shift_left3A_366 = arith.constant 4 : i32
      %shift_left3A_367 = arith.shli %and3A_365, %shift_left3A_366 : i32
      %add3A_368 = arith.addi %shift_left3A_363, %shift_left3A_367 : i32
      %swap3A = arith.index_cast %add3A_368 : i32 to index
      %swap3A_369 = tpu.vector_load %arg5[%swap3A] {strides = array<i32>} : memref<8192xf32, #tpu.memory_space<vmem>>, vector<16xf32>,
      tpu.vector_store %arg5[%swap3A], %gather3A_359 {strides = array<i32>} : memref<8192xf32, #tpu.memory_space<vmem>>, vector<16xf32>,
      %scan3A_370 = arith.constant 1 : i32
      %scan3A_371 = arith.addi %scan3A_336, %scan3A_370 : i32
      %shift_right_arithmetic3A_372 = arith.constant 5 : i32
      %shift_right_arithmetic3A_373 = arith.shrsi %scan3A_371, %shift_right_arithmetic3A_372 : i32
      %shift_left3A_374 = arith.constant 9 : i32
      %shift_left3A_375 = arith.shli %shift_right_arithmetic3A_373, %shift_left3A_374 : i32
      %and3A_376 = arith.constant 3 : i32
      %and3A_377 = arith.andi %scan3A_371, %and3A_376 : i32
      %shift_left3A_378 = arith.constant 7 : i32
      %shift_left3A_379 = arith.shli %and3A_377, %shift_left3A_378 : i32
      %add3A_380 = arith.addi %shift_left3A_375, %shift_left3A_379 : i32
      %shift_right_arithmetic3A_381 = arith.constant 2 : i32
      %shift_right_arithmetic3A_382 = arith.shrsi %scan3A_371, %shift_right_arithmetic3A_381 : i32
      %and3A_383 = arith.constant 7 : i32
      %and3A_384 = arith.andi %shift_right_arithmetic3A_382, %and3A_383 : i32
      %shift_left3A_385 = arith.constant 1 : i32
      %shift_left3A_386 = arith.shli %and3A_384, %shift_left3A_385 : i32
      %add3A_387 = arith.addi %add3A_380, %shift_left3A_386 : i32
      %add3A_388 = vector.broadcast %add3A_387 : i32 to vector<16xi32>
      %add3A_389 = arith.addi %add3A_388, %add3A_9 : vector<16xi32>
      %gather3A_390 = arith.constant 1 : i32
      %gather3A_391 = arith.constant 0 : i32
      %gather3A_392 = arith.constant 0 : i32
      %gather3A_393 = tpu.memref_slice %arg4[%gather3A_390, %gather3A_391, %gather3A_392] : memref<3x4096x8xf32, #tpu.memory_space<vmem>> -> memref<1x4096x8xf32, #tpu.memory_space<vmem>>
      %gather3A_394 = tpu.memref_squeeze %gather3A_393 : memref<1x4096x8xf32, #tpu.memory_space<vmem>> -> memref<4096x8xf32, #tpu.memory_space<vmem>>
      %gather3A_395 = tpu.vector_load_idx %gather3A_394[%add3A_389, %broadcast_in_dim3A_10] : memref<4096x8xf32, #tpu.memory_space<vmem>>[vector<16xi32>, vector<16xi32>], vector<16xf32>,
      %shift_right_arithmetic3A_396 = arith.constant 2 : i32
      %shift_right_arithmetic3A_397 = arith.shrsi %scan3A_371, %shift_right_arithmetic3A_396 : i32
      %shift_left3A_398 = arith.constant 7 : i32
      %shift_left3A_399 = arith.shli %shift_right_arithmetic3A_397, %shift_left3A_398 : i32
      %and3A_400 = arith.constant 3 : i32
      %and3A_401 = arith.andi %scan3A_371, %and3A_400 : i32
      %shift_left3A_402 = arith.constant 4 : i32
      %shift_left3A_403 = arith.shli %and3A_401, %shift_left3A_402 : i32
      %add3A_404 = arith.addi %shift_left3A_399, %shift_left3A_403 : i32
      %swap3A_405 = arith.index_cast %add3A_404 : i32 to index
      %swap3A_406 = tpu.vector_load %arg5[%swap3A_405] {strides = array<i32>} : memref<8192xf32, #tpu.memory_space<vmem>>, vector<16xf32>,
      tpu.vector_store %arg5[%swap3A_405], %gather3A_395 {strides = array<i32>} : memref<8192xf32, #tpu.memory_space<vmem>>, vector<16xf32>,
    }
    %scan3A_234 = arith.constant 256 : i32
    %add3A_235 = arith.constant 16384 : i32
    %add3A_236 = arith.addi %mul3A_2, %add3A_235 : i32
    %mul3A_237 = arith.constant 2 : i32
    %mul3A_238 = arith.muli %mul3A_237, %add3A_236 : i32
    %dma_start3A_239 = tpu.memref_slice %arg3[%mul3A_238] : memref<2097152xf32, #tpu.memory_space<hbm>> -> memref<8192xf32, #tpu.memory_space<hbm>>
    %dma_start3A_240 = tpu.memref_slice %arg3[%mul3A_238] : memref<2097152xf32, #tpu.memory_space<hbm>> -> memref<8192xf32, #tpu.memory_space<hbm>>
    tpu.enqueue_dma source(%arg5 : memref<8192xf32, #tpu.memory_space<vmem>>) target(%dma_start3A_240 : memref<8192xf32, #tpu.memory_space<hbm>>) target_semaphore(%arg9 : memref<!tpu.dma_semaphore, #tpu.memory_space<semaphore_mem>>)
    %dma_wait3A_241 = tpu.memref_slice %arg3[%mul3A_238] : memref<2097152xf32, #tpu.memory_space<hbm>> -> memref<8192xf32, #tpu.memory_space<hbm>>
    %dma_wait3A_242 = tpu.memref_slice %arg3[%mul3A_238] : memref<2097152xf32, #tpu.memory_space<hbm>> -> memref<8192xf32, #tpu.memory_space<hbm>>
    tpu.wait_dma2 semaphore(%arg9 : memref<!tpu.dma_semaphore, #tpu.memory_space<semaphore_mem>>) src(%arg5 : memref<8192xf32, #tpu.memory_space<vmem>>) dst(%dma_wait3A_242 : memref<8192xf32, #tpu.memory_space<hbm>>)
    %dma_wait3A_243 = arith.constant 2 : i32
    %dma_wait3A_244 = arith.constant 0 : i32
    %dma_wait3A_245 = arith.constant 0 : i32
    %dma_wait3A_246 = tpu.memref_slice %arg4[%dma_wait3A_243, %dma_wait3A_244, %dma_wait3A_245] : memref<3x4096x8xf32, #tpu.memory_space<vmem>> -> memref<1x4096x8xf32, #tpu.memory_space<vmem>>
    %dma_wait3A_247 = tpu.memref_squeeze %dma_wait3A_246 : memref<1x4096x8xf32, #tpu.memory_space<vmem>> -> memref<4096x8xf32, #tpu.memory_space<vmem>>
    %dma_wait3A_248 = arith.constant 0 : i32
    %dma_wait3A_249 = tpu.memref_slice %arg2[%add3A_175, %dma_wait3A_248] : memref<1048576x64xf32, #tpu.memory_space<hbm>> -> memref<4096x8xf32, #tpu.memory_space<hbm>>
    %dma_wait3A_250 = arith.constant 0 : i32
    %dma_wait3A_251 = arith.constant 0 : i32
    %dma_wait3A_252 = tpu.memref_slice %arg4[%dma_wait3A_243, %dma_wait3A_250, %dma_wait3A_251] : memref<3x4096x8xf32, #tpu.memory_space<vmem>> -> memref<1x4096x8xf32, #tpu.memory_space<vmem>>
    %dma_wait3A_253 = tpu.memref_squeeze %dma_wait3A_252 : memref<1x4096x8xf32, #tpu.memory_space<vmem>> -> memref<4096x8xf32, #tpu.memory_space<vmem>>
    %dma_wait3A_254 = arith.constant 0 : i32
    %dma_wait3A_255 = tpu.memref_slice %arg2[%add3A_175, %dma_wait3A_254] : memref<1048576x64xf32, #tpu.memory_space<hbm>> -> memref<4096x8xf32, #tpu.memory_space<hbm>>
    tpu.wait_dma2 semaphore(%arg8 : memref<!tpu.dma_semaphore, #tpu.memory_space<semaphore_mem>>) src(%dma_wait3A_255 : memref<4096x8xf32, #tpu.memory_space<hbm>>) dst(%dma_wait3A_253 : memref<4096x8xf32, #tpu.memory_space<vmem>>)
    %add3A_256 = arith.constant 28672 : i32
    %add3A_257 = arith.addi %mul3A_2, %add3A_256 : i32
    %dma_start3A_258 = arith.constant 1 : i32
    %dma_start3A_259 = arith.constant 0 : i32
    %dma_start3A_260 = arith.constant 0 : i32
    %dma_start3A_261 = tpu.memref_slice %arg4[%dma_start3A_258, %dma_start3A_259, %dma_start3A_260] : memref<3x4096x8xf32, #tpu.memory_space<vmem>> -> memref<1x4096x8xf32, #tpu.memory_space<vmem>>
    %dma_start3A_262 = tpu.memref_squeeze %dma_start3A_261 : memref<1x4096x8xf32, #tpu.memory_space<vmem>> -> memref<4096x8xf32, #tpu.memory_space<vmem>>
    %dma_start3A_263 = arith.constant 0 : i32
    %dma_start3A_264 = tpu.memref_slice %arg2[%add3A_257, %dma_start3A_263] : memref<1048576x64xf32, #tpu.memory_space<hbm>> -> memref<4096x8xf32, #tpu.memory_space<hbm>>
    %dma_start3A_265 = arith.constant 0 : i32
    %dma_start3A_266 = arith.constant 0 : i32
    %dma_start3A_267 = tpu.memref_slice %arg4[%dma_start3A_258, %dma_start3A_265, %dma_start3A_266] : memref<3x4096x8xf32, #tpu.memory_space<vmem>> -> memref<1x4096x8xf32, #tpu.memory_space<vmem>>
    %dma_start3A_268 = tpu.memref_squeeze %dma_start3A_267 : memref<1x4096x8xf32, #tpu.memory_space<vmem>> -> memref<4096x8xf32, #tpu.memory_space<vmem>>
    %dma_start3A_269 = arith.constant 0 : i32
    %dma_start3A_270 = tpu.memref_slice %arg2[%add3A_257, %dma_start3A_269] : memref<1048576x64xf32, #tpu.memory_space<hbm>> -> memref<4096x8xf32, #tpu.memory_space<hbm>>
    tpu.enqueue_dma source(%dma_start3A_270 : memref<4096x8xf32, #tpu.memory_space<hbm>>) target(%dma_start3A_268 : memref<4096x8xf32, #tpu.memory_space<vmem>>) target_semaphore(%arg7 : memref<!tpu.dma_semaphore, #tpu.memory_space<semaphore_mem>>)
    %scan3A_271 = arith.constant 0 : i32
    %scan3A_272 = arith.constant 256 : i32
    %scan3A_273 = arith.addi %scan3A_271, %scan3A_272 : i32
    %scan3A_274 = arith.constant 2 : i32
    scf.for %scan3A_336 = %scan3A_271 to %scan3A_273 step %scan3A_274  : i32 {
      %shift_right_arithmetic3A_337 = arith.constant 5 : i32
      %shift_right_arithmetic3A_338 = arith.shrsi %scan3A_336, %shift_right_arithmetic3A_337 : i32
      %shift_left3A_339 = arith.constant 9 : i32
      %shift_left3A_340 = arith.shli %shift_right_arithmetic3A_338, %shift_left3A_339 : i32
      %and3A_341 = arith.constant 3 : i32
      %and3A_342 = arith.andi %scan3A_336, %and3A_341 : i32
      %shift_left3A_343 = arith.constant 7 : i32
      %shift_left3A_344 = arith.shli %and3A_342, %shift_left3A_343 : i32
      %add3A_345 = arith.addi %shift_left3A_340, %shift_left3A_344 : i32
      %shift_right_arithmetic3A_346 = arith.constant 2 : i32
      %shift_right_arithmetic3A_347 = arith.shrsi %scan3A_336, %shift_right_arithmetic3A_346 : i32
      %and3A_348 = arith.constant 7 : i32
      %and3A_349 = arith.andi %shift_right_arithmetic3A_347, %and3A_348 : i32
      %shift_left3A_350 = arith.constant 1 : i32
      %shift_left3A_351 = arith.shli %and3A_349, %shift_left3A_350 : i32
      %add3A_352 = arith.addi %add3A_345, %shift_left3A_351 : i32
      %add3A_353 = vector.broadcast %add3A_352 : i32 to vector<16xi32>
      %add3A_354 = arith.addi %add3A_353, %add3A_9 : vector<16xi32>
      %gather3A = arith.constant 2 : i32
      %gather3A_355 = arith.constant 0 : i32
      %gather3A_356 = arith.constant 0 : i32
      %gather3A_357 = tpu.memref_slice %arg4[%gather3A, %gather3A_355, %gather3A_356] : memref<3x4096x8xf32, #tpu.memory_space<vmem>> -> memref<1x4096x8xf32, #tpu.memory_space<vmem>>
      %gather3A_358 = tpu.memref_squeeze %gather3A_357 : memref<1x4096x8xf32, #tpu.memory_space<vmem>> -> memref<4096x8xf32, #tpu.memory_space<vmem>>
      %gather3A_359 = tpu.vector_load_idx %gather3A_358[%add3A_354, %broadcast_in_dim3A_10] : memref<4096x8xf32, #tpu.memory_space<vmem>>[vector<16xi32>, vector<16xi32>], vector<16xf32>,
      %shift_right_arithmetic3A_360 = arith.constant 2 : i32
      %shift_right_arithmetic3A_361 = arith.shrsi %scan3A_336, %shift_right_arithmetic3A_360 : i32
      %shift_left3A_362 = arith.constant 7 : i32
      %shift_left3A_363 = arith.shli %shift_right_arithmetic3A_361, %shift_left3A_362 : i32
      %and3A_364 = arith.constant 3 : i32
      %and3A_365 = arith.andi %scan3A_336, %and3A_364 : i32
      %shift_left3A_366 = arith.constant 4 : i32
      %shift_left3A_367 = arith.shli %and3A_365, %shift_left3A_366 : i32
      %add3A_368 = arith.addi %shift_left3A_363, %shift_left3A_367 : i32
      %swap3A = arith.index_cast %add3A_368 : i32 to index
      %swap3A_369 = tpu.vector_load %arg5[%swap3A] {strides = array<i32>} : memref<8192xf32, #tpu.memory_space<vmem>>, vector<16xf32>,
      tpu.vector_store %arg5[%swap3A], %gather3A_359 {strides = array<i32>} : memref<8192xf32, #tpu.memory_space<vmem>>, vector<16xf32>,
      %scan3A_370 = arith.constant 1 : i32
      %scan3A_371 = arith.addi %scan3A_336, %scan3A_370 : i32
      %shift_right_arithmetic3A_372 = arith.constant 5 : i32
      %shift_right_arithmetic3A_373 = arith.shrsi %scan3A_371, %shift_right_arithmetic3A_372 : i32
      %shift_left3A_374 = arith.constant 9 : i32
      %shift_left3A_375 = arith.shli %shift_right_arithmetic3A_373, %shift_left3A_374 : i32
      %and3A_376 = arith.constant 3 : i32
      %and3A_377 = arith.andi %scan3A_371, %and3A_376 : i32
      %shift_left3A_378 = arith.constant 7 : i32
      %shift_left3A_379 = arith.shli %and3A_377, %shift_left3A_378 : i32
      %add3A_380 = arith.addi %shift_left3A_375, %shift_left3A_379 : i32
      %shift_right_arithmetic3A_381 = arith.constant 2 : i32
      %shift_right_arithmetic3A_382 = arith.shrsi %scan3A_371, %shift_right_arithmetic3A_381 : i32
      %and3A_383 = arith.constant 7 : i32
      %and3A_384 = arith.andi %shift_right_arithmetic3A_382, %and3A_383 : i32
      %shift_left3A_385 = arith.constant 1 : i32
      %shift_left3A_386 = arith.shli %and3A_384, %shift_left3A_385 : i32
      %add3A_387 = arith.addi %add3A_380, %shift_left3A_386 : i32
      %add3A_388 = vector.broadcast %add3A_387 : i32 to vector<16xi32>
      %add3A_389 = arith.addi %add3A_388, %add3A_9 : vector<16xi32>
      %gather3A_390 = arith.constant 2 : i32
      %gather3A_391 = arith.constant 0 : i32
      %gather3A_392 = arith.constant 0 : i32
      %gather3A_393 = tpu.memref_slice %arg4[%gather3A_390, %gather3A_391, %gather3A_392] : memref<3x4096x8xf32, #tpu.memory_space<vmem>> -> memref<1x4096x8xf32, #tpu.memory_space<vmem>>
      %gather3A_394 = tpu.memref_squeeze %gather3A_393 : memref<1x4096x8xf32, #tpu.memory_space<vmem>> -> memref<4096x8xf32, #tpu.memory_space<vmem>>
      %gather3A_395 = tpu.vector_load_idx %gather3A_394[%add3A_389, %broadcast_in_dim3A_10] : memref<4096x8xf32, #tpu.memory_space<vmem>>[vector<16xi32>, vector<16xi32>], vector<16xf32>,
      %shift_right_arithmetic3A_396 = arith.constant 2 : i32
      %shift_right_arithmetic3A_397 = arith.shrsi %scan3A_371, %shift_right_arithmetic3A_396 : i32
      %shift_left3A_398 = arith.constant 7 : i32
      %shift_left3A_399 = arith.shli %shift_right_arithmetic3A_397, %shift_left3A_398 : i32
      %and3A_400 = arith.constant 3 : i32
      %and3A_401 = arith.andi %scan3A_371, %and3A_400 : i32
      %shift_left3A_402 = arith.constant 4 : i32
      %shift_left3A_403 = arith.shli %and3A_401, %shift_left3A_402 : i32
      %add3A_404 = arith.addi %shift_left3A_399, %shift_left3A_403 : i32
      %swap3A_405 = arith.index_cast %add3A_404 : i32 to index
      %swap3A_406 = tpu.vector_load %arg5[%swap3A_405] {strides = array<i32>} : memref<8192xf32, #tpu.memory_space<vmem>>, vector<16xf32>,
      tpu.vector_store %arg5[%swap3A_405], %gather3A_395 {strides = array<i32>} : memref<8192xf32, #tpu.memory_space<vmem>>, vector<16xf32>,
    }
    %scan3A_275 = arith.constant 256 : i32
    %add3A_276 = arith.constant 20480 : i32
    %add3A_277 = arith.addi %mul3A_2, %add3A_276 : i32
    %mul3A_278 = arith.constant 2 : i32
    %mul3A_279 = arith.muli %mul3A_278, %add3A_277 : i32
    %dma_start3A_280 = tpu.memref_slice %arg3[%mul3A_279] : memref<2097152xf32, #tpu.memory_space<hbm>> -> memref<8192xf32, #tpu.memory_space<hbm>>
    %dma_start3A_281 = tpu.memref_slice %arg3[%mul3A_279] : memref<2097152xf32, #tpu.memory_space<hbm>> -> memref<8192xf32, #tpu.memory_space<hbm>>
    tpu.enqueue_dma source(%arg5 : memref<8192xf32, #tpu.memory_space<vmem>>) target(%dma_start3A_281 : memref<8192xf32, #tpu.memory_space<hbm>>) target_semaphore(%arg9 : memref<!tpu.dma_semaphore, #tpu.memory_space<semaphore_mem>>)
    %dma_wait3A_282 = tpu.memref_slice %arg3[%mul3A_279] : memref<2097152xf32, #tpu.memory_space<hbm>> -> memref<8192xf32, #tpu.memory_space<hbm>>
    %dma_wait3A_283 = tpu.memref_slice %arg3[%mul3A_279] : memref<2097152xf32, #tpu.memory_space<hbm>> -> memref<8192xf32, #tpu.memory_space<hbm>>
    tpu.wait_dma2 semaphore(%arg9 : memref<!tpu.dma_semaphore, #tpu.memory_space<semaphore_mem>>) src(%arg5 : memref<8192xf32, #tpu.memory_space<vmem>>) dst(%dma_wait3A_283 : memref<8192xf32, #tpu.memory_space<hbm>>)
    %dma_wait3A_284 = arith.constant 0 : i32
    %dma_wait3A_285 = arith.constant 0 : i32
    %dma_wait3A_286 = arith.constant 0 : i32
    %dma_wait3A_287 = tpu.memref_slice %arg4[%dma_wait3A_284, %dma_wait3A_285, %dma_wait3A_286] : memref<3x4096x8xf32, #tpu.memory_space<vmem>> -> memref<1x4096x8xf32, #tpu.memory_space<vmem>>
    %dma_wait3A_288 = tpu.memref_squeeze %dma_wait3A_287 : memref<1x4096x8xf32, #tpu.memory_space<vmem>> -> memref<4096x8xf32, #tpu.memory_space<vmem>>
    %dma_wait3A_289 = arith.constant 0 : i32
    %dma_wait3A_290 = tpu.memref_slice %arg2[%add3A_216, %dma_wait3A_289] : memref<1048576x64xf32, #tpu.memory_space<hbm>> -> memref<4096x8xf32, #tpu.memory_space<hbm>>
    %dma_wait3A_291 = arith.constant 0 : i32
    %dma_wait3A_292 = arith.constant 0 : i32
    %dma_wait3A_293 = tpu.memref_slice %arg4[%dma_wait3A_284, %dma_wait3A_291, %dma_wait3A_292] : memref<3x4096x8xf32, #tpu.memory_space<vmem>> -> memref<1x4096x8xf32, #tpu.memory_space<vmem>>
    %dma_wait3A_294 = tpu.memref_squeeze %dma_wait3A_293 : memref<1x4096x8xf32, #tpu.memory_space<vmem>> -> memref<4096x8xf32, #tpu.memory_space<vmem>>
    %dma_wait3A_295 = arith.constant 0 : i32
    %dma_wait3A_296 = tpu.memref_slice %arg2[%add3A_216, %dma_wait3A_295] : memref<1048576x64xf32, #tpu.memory_space<hbm>> -> memref<4096x8xf32, #tpu.memory_space<hbm>>
    tpu.wait_dma2 semaphore(%arg6 : memref<!tpu.dma_semaphore, #tpu.memory_space<semaphore_mem>>) src(%dma_wait3A_296 : memref<4096x8xf32, #tpu.memory_space<hbm>>) dst(%dma_wait3A_294 : memref<4096x8xf32, #tpu.memory_space<vmem>>)
    %scan3A_297 = arith.constant 0 : i32
    %scan3A_298 = arith.constant 256 : i32
    %scan3A_299 = arith.addi %scan3A_297, %scan3A_298 : i32
    %scan3A_300 = arith.constant 2 : i32
    scf.for %scan3A_336 = %scan3A_297 to %scan3A_299 step %scan3A_300  : i32 {
      %shift_right_arithmetic3A_337 = arith.constant 5 : i32
      %shift_right_arithmetic3A_338 = arith.shrsi %scan3A_336, %shift_right_arithmetic3A_337 : i32
      %shift_left3A_339 = arith.constant 9 : i32
      %shift_left3A_340 = arith.shli %shift_right_arithmetic3A_338, %shift_left3A_339 : i32
      %and3A_341 = arith.constant 3 : i32
      %and3A_342 = arith.andi %scan3A_336, %and3A_341 : i32
      %shift_left3A_343 = arith.constant 7 : i32
      %shift_left3A_344 = arith.shli %and3A_342, %shift_left3A_343 : i32
      %add3A_345 = arith.addi %shift_left3A_340, %shift_left3A_344 : i32
      %shift_right_arithmetic3A_346 = arith.constant 2 : i32
      %shift_right_arithmetic3A_347 = arith.shrsi %scan3A_336, %shift_right_arithmetic3A_346 : i32
      %and3A_348 = arith.constant 7 : i32
      %and3A_349 = arith.andi %shift_right_arithmetic3A_347, %and3A_348 : i32
      %shift_left3A_350 = arith.constant 1 : i32
      %shift_left3A_351 = arith.shli %and3A_349, %shift_left3A_350 : i32
      %add3A_352 = arith.addi %add3A_345, %shift_left3A_351 : i32
      %add3A_353 = vector.broadcast %add3A_352 : i32 to vector<16xi32>
      %add3A_354 = arith.addi %add3A_353, %add3A_9 : vector<16xi32>
      %gather3A = arith.constant 0 : i32
      %gather3A_355 = arith.constant 0 : i32
      %gather3A_356 = arith.constant 0 : i32
      %gather3A_357 = tpu.memref_slice %arg4[%gather3A, %gather3A_355, %gather3A_356] : memref<3x4096x8xf32, #tpu.memory_space<vmem>> -> memref<1x4096x8xf32, #tpu.memory_space<vmem>>
      %gather3A_358 = tpu.memref_squeeze %gather3A_357 : memref<1x4096x8xf32, #tpu.memory_space<vmem>> -> memref<4096x8xf32, #tpu.memory_space<vmem>>
      %gather3A_359 = tpu.vector_load_idx %gather3A_358[%add3A_354, %broadcast_in_dim3A_10] : memref<4096x8xf32, #tpu.memory_space<vmem>>[vector<16xi32>, vector<16xi32>], vector<16xf32>,
      %shift_right_arithmetic3A_360 = arith.constant 2 : i32
      %shift_right_arithmetic3A_361 = arith.shrsi %scan3A_336, %shift_right_arithmetic3A_360 : i32
      %shift_left3A_362 = arith.constant 7 : i32
      %shift_left3A_363 = arith.shli %shift_right_arithmetic3A_361, %shift_left3A_362 : i32
      %and3A_364 = arith.constant 3 : i32
      %and3A_365 = arith.andi %scan3A_336, %and3A_364 : i32
      %shift_left3A_366 = arith.constant 4 : i32
      %shift_left3A_367 = arith.shli %and3A_365, %shift_left3A_366 : i32
      %add3A_368 = arith.addi %shift_left3A_363, %shift_left3A_367 : i32
      %swap3A = arith.index_cast %add3A_368 : i32 to index
      %swap3A_369 = tpu.vector_load %arg5[%swap3A] {strides = array<i32>} : memref<8192xf32, #tpu.memory_space<vmem>>, vector<16xf32>,
      tpu.vector_store %arg5[%swap3A], %gather3A_359 {strides = array<i32>} : memref<8192xf32, #tpu.memory_space<vmem>>, vector<16xf32>,
      %scan3A_370 = arith.constant 1 : i32
      %scan3A_371 = arith.addi %scan3A_336, %scan3A_370 : i32
      %shift_right_arithmetic3A_372 = arith.constant 5 : i32
      %shift_right_arithmetic3A_373 = arith.shrsi %scan3A_371, %shift_right_arithmetic3A_372 : i32
      %shift_left3A_374 = arith.constant 9 : i32
      %shift_left3A_375 = arith.shli %shift_right_arithmetic3A_373, %shift_left3A_374 : i32
      %and3A_376 = arith.constant 3 : i32
      %and3A_377 = arith.andi %scan3A_371, %and3A_376 : i32
      %shift_left3A_378 = arith.constant 7 : i32
      %shift_left3A_379 = arith.shli %and3A_377, %shift_left3A_378 : i32
      %add3A_380 = arith.addi %shift_left3A_375, %shift_left3A_379 : i32
      %shift_right_arithmetic3A_381 = arith.constant 2 : i32
      %shift_right_arithmetic3A_382 = arith.shrsi %scan3A_371, %shift_right_arithmetic3A_381 : i32
      %and3A_383 = arith.constant 7 : i32
      %and3A_384 = arith.andi %shift_right_arithmetic3A_382, %and3A_383 : i32
      %shift_left3A_385 = arith.constant 1 : i32
      %shift_left3A_386 = arith.shli %and3A_384, %shift_left3A_385 : i32
      %add3A_387 = arith.addi %add3A_380, %shift_left3A_386 : i32
      %add3A_388 = vector.broadcast %add3A_387 : i32 to vector<16xi32>
      %add3A_389 = arith.addi %add3A_388, %add3A_9 : vector<16xi32>
      %gather3A_390 = arith.constant 0 : i32
      %gather3A_391 = arith.constant 0 : i32
      %gather3A_392 = arith.constant 0 : i32
      %gather3A_393 = tpu.memref_slice %arg4[%gather3A_390, %gather3A_391, %gather3A_392] : memref<3x4096x8xf32, #tpu.memory_space<vmem>> -> memref<1x4096x8xf32, #tpu.memory_space<vmem>>
      %gather3A_394 = tpu.memref_squeeze %gather3A_393 : memref<1x4096x8xf32, #tpu.memory_space<vmem>> -> memref<4096x8xf32, #tpu.memory_space<vmem>>
      %gather3A_395 = tpu.vector_load_idx %gather3A_394[%add3A_389, %broadcast_in_dim3A_10] : memref<4096x8xf32, #tpu.memory_space<vmem>>[vector<16xi32>, vector<16xi32>], vector<16xf32>,
      %shift_right_arithmetic3A_396 = arith.constant 2 : i32
      %shift_right_arithmetic3A_397 = arith.shrsi %scan3A_371, %shift_right_arithmetic3A_396 : i32
      %shift_left3A_398 = arith.constant 7 : i32
      %shift_left3A_399 = arith.shli %shift_right_arithmetic3A_397, %shift_left3A_398 : i32
      %and3A_400 = arith.constant 3 : i32
      %and3A_401 = arith.andi %scan3A_371, %and3A_400 : i32
      %shift_left3A_402 = arith.constant 4 : i32
      %shift_left3A_403 = arith.shli %and3A_401, %shift_left3A_402 : i32
      %add3A_404 = arith.addi %shift_left3A_399, %shift_left3A_403 : i32
      %swap3A_405 = arith.index_cast %add3A_404 : i32 to index
      %swap3A_406 = tpu.vector_load %arg5[%swap3A_405] {strides = array<i32>} : memref<8192xf32, #tpu.memory_space<vmem>>, vector<16xf32>,
      tpu.vector_store %arg5[%swap3A_405], %gather3A_395 {strides = array<i32>} : memref<8192xf32, #tpu.memory_space<vmem>>, vector<16xf32>,
    }
    %scan3A_301 = arith.constant 256 : i32
    %add3A_302 = arith.constant 24576 : i32
    %add3A_303 = arith.addi %mul3A_2, %add3A_302 : i32
    %mul3A_304 = arith.constant 2 : i32
    %mul3A_305 = arith.muli %mul3A_304, %add3A_303 : i32
    %dma_start3A_306 = tpu.memref_slice %arg3[%mul3A_305] : memref<2097152xf32, #tpu.memory_space<hbm>> -> memref<8192xf32, #tpu.memory_space<hbm>>
    %dma_start3A_307 = tpu.memref_slice %arg3[%mul3A_305] : memref<2097152xf32, #tpu.memory_space<hbm>> -> memref<8192xf32, #tpu.memory_space<hbm>>
    tpu.enqueue_dma source(%arg5 : memref<8192xf32, #tpu.memory_space<vmem>>) target(%dma_start3A_307 : memref<8192xf32, #tpu.memory_space<hbm>>) target_semaphore(%arg9 : memref<!tpu.dma_semaphore, #tpu.memory_space<semaphore_mem>>)
    %dma_wait3A_308 = tpu.memref_slice %arg3[%mul3A_305] : memref<2097152xf32, #tpu.memory_space<hbm>> -> memref<8192xf32, #tpu.memory_space<hbm>>
    %dma_wait3A_309 = tpu.memref_slice %arg3[%mul3A_305] : memref<2097152xf32, #tpu.memory_space<hbm>> -> memref<8192xf32, #tpu.memory_space<hbm>>
    tpu.wait_dma2 semaphore(%arg9 : memref<!tpu.dma_semaphore, #tpu.memory_space<semaphore_mem>>) src(%arg5 : memref<8192xf32, #tpu.memory_space<vmem>>) dst(%dma_wait3A_309 : memref<8192xf32, #tpu.memory_space<hbm>>)
    %dma_wait3A_310 = arith.constant 1 : i32
    %dma_wait3A_311 = arith.constant 0 : i32
    %dma_wait3A_312 = arith.constant 0 : i32
    %dma_wait3A_313 = tpu.memref_slice %arg4[%dma_wait3A_310, %dma_wait3A_311, %dma_wait3A_312] : memref<3x4096x8xf32, #tpu.memory_space<vmem>> -> memref<1x4096x8xf32, #tpu.memory_space<vmem>>
    %dma_wait3A_314 = tpu.memref_squeeze %dma_wait3A_313 : memref<1x4096x8xf32, #tpu.memory_space<vmem>> -> memref<4096x8xf32, #tpu.memory_space<vmem>>
    %dma_wait3A_315 = arith.constant 0 : i32
    %dma_wait3A_316 = tpu.memref_slice %arg2[%add3A_257, %dma_wait3A_315] : memref<1048576x64xf32, #tpu.memory_space<hbm>> -> memref<4096x8xf32, #tpu.memory_space<hbm>>
    %dma_wait3A_317 = arith.constant 0 : i32
    %dma_wait3A_318 = arith.constant 0 : i32
    %dma_wait3A_319 = tpu.memref_slice %arg4[%dma_wait3A_310, %dma_wait3A_317, %dma_wait3A_318] : memref<3x4096x8xf32, #tpu.memory_space<vmem>> -> memref<1x4096x8xf32, #tpu.memory_space<vmem>>
    %dma_wait3A_320 = tpu.memref_squeeze %dma_wait3A_319 : memref<1x4096x8xf32, #tpu.memory_space<vmem>> -> memref<4096x8xf32, #tpu.memory_space<vmem>>
    %dma_wait3A_321 = arith.constant 0 : i32
    %dma_wait3A_322 = tpu.memref_slice %arg2[%add3A_257, %dma_wait3A_321] : memref<1048576x64xf32, #tpu.memory_space<hbm>> -> memref<4096x8xf32, #tpu.memory_space<hbm>>
    tpu.wait_dma2 semaphore(%arg7 : memref<!tpu.dma_semaphore, #tpu.memory_space<semaphore_mem>>) src(%dma_wait3A_322 : memref<4096x8xf32, #tpu.memory_space<hbm>>) dst(%dma_wait3A_320 : memref<4096x8xf32, #tpu.memory_space<vmem>>)
    %scan3A_323 = arith.constant 0 : i32
    %scan3A_324 = arith.constant 256 : i32
    %scan3A_325 = arith.addi %scan3A_323, %scan3A_324 : i32
    %scan3A_326 = arith.constant 2 : i32
    scf.for %scan3A_336 = %scan3A_323 to %scan3A_325 step %scan3A_326  : i32 {
      %shift_right_arithmetic3A_337 = arith.constant 5 : i32
      %shift_right_arithmetic3A_338 = arith.shrsi %scan3A_336, %shift_right_arithmetic3A_337 : i32
      %shift_left3A_339 = arith.constant 9 : i32
      %shift_left3A_340 = arith.shli %shift_right_arithmetic3A_338, %shift_left3A_339 : i32
      %and3A_341 = arith.constant 3 : i32
      %and3A_342 = arith.andi %scan3A_336, %and3A_341 : i32
      %shift_left3A_343 = arith.constant 7 : i32
      %shift_left3A_344 = arith.shli %and3A_342, %shift_left3A_343 : i32
      %add3A_345 = arith.addi %shift_left3A_340, %shift_left3A_344 : i32
      %shift_right_arithmetic3A_346 = arith.constant 2 : i32
      %shift_right_arithmetic3A_347 = arith.shrsi %scan3A_336, %shift_right_arithmetic3A_346 : i32
      %and3A_348 = arith.constant 7 : i32
      %and3A_349 = arith.andi %shift_right_arithmetic3A_347, %and3A_348 : i32
      %shift_left3A_350 = arith.constant 1 : i32
      %shift_left3A_351 = arith.shli %and3A_349, %shift_left3A_350 : i32
      %add3A_352 = arith.addi %add3A_345, %shift_left3A_351 : i32
      %add3A_353 = vector.broadcast %add3A_352 : i32 to vector<16xi32>
      %add3A_354 = arith.addi %add3A_353, %add3A_9 : vector<16xi32>
      %gather3A = arith.constant 1 : i32
      %gather3A_355 = arith.constant 0 : i32
      %gather3A_356 = arith.constant 0 : i32
      %gather3A_357 = tpu.memref_slice %arg4[%gather3A, %gather3A_355, %gather3A_356] : memref<3x4096x8xf32, #tpu.memory_space<vmem>> -> memref<1x4096x8xf32, #tpu.memory_space<vmem>>
      %gather3A_358 = tpu.memref_squeeze %gather3A_357 : memref<1x4096x8xf32, #tpu.memory_space<vmem>> -> memref<4096x8xf32, #tpu.memory_space<vmem>>
      %gather3A_359 = tpu.vector_load_idx %gather3A_358[%add3A_354, %broadcast_in_dim3A_10] : memref<4096x8xf32, #tpu.memory_space<vmem>>[vector<16xi32>, vector<16xi32>], vector<16xf32>,
      %shift_right_arithmetic3A_360 = arith.constant 2 : i32
      %shift_right_arithmetic3A_361 = arith.shrsi %scan3A_336, %shift_right_arithmetic3A_360 : i32
      %shift_left3A_362 = arith.constant 7 : i32
      %shift_left3A_363 = arith.shli %shift_right_arithmetic3A_361, %shift_left3A_362 : i32
      %and3A_364 = arith.constant 3 : i32
      %and3A_365 = arith.andi %scan3A_336, %and3A_364 : i32
      %shift_left3A_366 = arith.constant 4 : i32
      %shift_left3A_367 = arith.shli %and3A_365, %shift_left3A_366 : i32
      %add3A_368 = arith.addi %shift_left3A_363, %shift_left3A_367 : i32
      %swap3A = arith.index_cast %add3A_368 : i32 to index
      %swap3A_369 = tpu.vector_load %arg5[%swap3A] {strides = array<i32>} : memref<8192xf32, #tpu.memory_space<vmem>>, vector<16xf32>,
      tpu.vector_store %arg5[%swap3A], %gather3A_359 {strides = array<i32>} : memref<8192xf32, #tpu.memory_space<vmem>>, vector<16xf32>,
      %scan3A_370 = arith.constant 1 : i32
      %scan3A_371 = arith.addi %scan3A_336, %scan3A_370 : i32
      %shift_right_arithmetic3A_372 = arith.constant 5 : i32
      %shift_right_arithmetic3A_373 = arith.shrsi %scan3A_371, %shift_right_arithmetic3A_372 : i32
      %shift_left3A_374 = arith.constant 9 : i32
      %shift_left3A_375 = arith.shli %shift_right_arithmetic3A_373, %shift_left3A_374 : i32
      %and3A_376 = arith.constant 3 : i32
      %and3A_377 = arith.andi %scan3A_371, %and3A_376 : i32
      %shift_left3A_378 = arith.constant 7 : i32
      %shift_left3A_379 = arith.shli %and3A_377, %shift_left3A_378 : i32
      %add3A_380 = arith.addi %shift_left3A_375, %shift_left3A_379 : i32
      %shift_right_arithmetic3A_381 = arith.constant 2 : i32
      %shift_right_arithmetic3A_382 = arith.shrsi %scan3A_371, %shift_right_arithmetic3A_381 : i32
      %and3A_383 = arith.constant 7 : i32
      %and3A_384 = arith.andi %shift_right_arithmetic3A_382, %and3A_383 : i32
      %shift_left3A_385 = arith.constant 1 : i32
      %shift_left3A_386 = arith.shli %and3A_384, %shift_left3A_385 : i32
      %add3A_387 = arith.addi %add3A_380, %shift_left3A_386 : i32
      %add3A_388 = vector.broadcast %add3A_387 : i32 to vector<16xi32>
      %add3A_389 = arith.addi %add3A_388, %add3A_9 : vector<16xi32>
      %gather3A_390 = arith.constant 1 : i32
      %gather3A_391 = arith.constant 0 : i32
      %gather3A_392 = arith.constant 0 : i32
      %gather3A_393 = tpu.memref_slice %arg4[%gather3A_390, %gather3A_391, %gather3A_392] : memref<3x4096x8xf32, #tpu.memory_space<vmem>> -> memref<1x4096x8xf32, #tpu.memory_space<vmem>>
      %gather3A_394 = tpu.memref_squeeze %gather3A_393 : memref<1x4096x8xf32, #tpu.memory_space<vmem>> -> memref<4096x8xf32, #tpu.memory_space<vmem>>
      %gather3A_395 = tpu.vector_load_idx %gather3A_394[%add3A_389, %broadcast_in_dim3A_10] : memref<4096x8xf32, #tpu.memory_space<vmem>>[vector<16xi32>, vector<16xi32>], vector<16xf32>,
      %shift_right_arithmetic3A_396 = arith.constant 2 : i32
      %shift_right_arithmetic3A_397 = arith.shrsi %scan3A_371, %shift_right_arithmetic3A_396 : i32
      %shift_left3A_398 = arith.constant 7 : i32
      %shift_left3A_399 = arith.shli %shift_right_arithmetic3A_397, %shift_left3A_398 : i32
      %and3A_400 = arith.constant 3 : i32
      %and3A_401 = arith.andi %scan3A_371, %and3A_400 : i32
      %shift_left3A_402 = arith.constant 4 : i32
      %shift_left3A_403 = arith.shli %and3A_401, %shift_left3A_402 : i32
      %add3A_404 = arith.addi %shift_left3A_399, %shift_left3A_403 : i32
      %swap3A_405 = arith.index_cast %add3A_404 : i32 to index
      %swap3A_406 = tpu.vector_load %arg5[%swap3A_405] {strides = array<i32>} : memref<8192xf32, #tpu.memory_space<vmem>>, vector<16xf32>,
      tpu.vector_store %arg5[%swap3A_405], %gather3A_395 {strides = array<i32>} : memref<8192xf32, #tpu.memory_space<vmem>>, vector<16xf32>,
    }
    %scan3A_327 = arith.constant 256 : i32
    %add3A_328 = arith.constant 28672 : i32
    %add3A_329 = arith.addi %mul3A_2, %add3A_328 : i32
    %mul3A_330 = arith.constant 2 : i32
    %mul3A_331 = arith.muli %mul3A_330, %add3A_329 : i32
    %dma_start3A_332 = tpu.memref_slice %arg3[%mul3A_331] : memref<2097152xf32, #tpu.memory_space<hbm>> -> memref<8192xf32, #tpu.memory_space<hbm>>
    %dma_start3A_333 = tpu.memref_slice %arg3[%mul3A_331] : memref<2097152xf32, #tpu.memory_space<hbm>> -> memref<8192xf32, #tpu.memory_space<hbm>>
    tpu.enqueue_dma source(%arg5 : memref<8192xf32, #tpu.memory_space<vmem>>) target(%dma_start3A_333 : memref<8192xf32, #tpu.memory_space<hbm>>) target_semaphore(%arg9 : memref<!tpu.dma_semaphore, #tpu.memory_space<semaphore_mem>>)
    %dma_wait3A_334 = tpu.memref_slice %arg3[%mul3A_331] : memref<2097152xf32, #tpu.memory_space<hbm>> -> memref<8192xf32, #tpu.memory_space<hbm>>
    %dma_wait3A_335 = tpu.memref_slice %arg3[%mul3A_331] : memref<2097152xf32, #tpu.memory_space<hbm>> -> memref<8192xf32, #tpu.memory_space<hbm>>
    tpu.wait_dma2 semaphore(%arg9 : memref<!tpu.dma_semaphore, #tpu.memory_space<semaphore_mem>>) src(%arg5 : memref<8192xf32, #tpu.memory_space<vmem>>) dst(%dma_wait3A_335 : memref<8192xf32, #tpu.memory_space<hbm>>)
    return
  }
}

</mosaic_0001>

<sc_bundles>
// kernel: kernel.3.cloned.1.call-start
scs
__scs_entry_jumppad:
0x0: {  	(pc) =	sbr.rel $0x88, $3  }
0x1: {  	(tag) =	ssettag $0x0;
	lr =	simm.s32 $0x1  }
0x2: {  	[smem:$0x3FA0] =	sst lr;
	_ =	strace $0xD0000000  }
0x3: {  	_ = 	snop  }
0x4: {  	_ = 	snop  }
0x5: {  	_ = 	snop  }
0x6: {  	_ = 	snop  }
0x7: {  	_ = 	snop  }
__scs_overlays_trampoline_lowered:
0x8: {  	[smem:$0x3FAF] =	sst s0  }
0x9: {  	[smem:$0x3FB0] =	sst s1  }
0xa: {  	[smem:$0x3FB1] =	sst s2  }
0xb: {  	[smem:$0x3FB2] =	sst s3  }
0xc: {  	[smem:$0x3FB3] =	sst s4  }
0xd: {  	[smem:$0x3FB4] =	sst s5  }
0xe: {  	[smem:$0x3FB5] =	sst s6  }
0xf: {  	[smem:$0x3FB6] =	sst s7  }
0x10: {  	[smem:$0x3FB7] =	sst s8  }
0x11: {  	[smem:$0x3FB8] =	sst s9;
	s0 =	simm.s32 @!p0 $0x0  }
0x12: {  	s1 =	sld [smem:$0x3F9E];
	s0 =	simm.s32 @p0 $0x1  }
0x13: {  	[smem:$0x3FB9] =	sst s0;
	s0 =	simm.s32 @!p1 $0x0  }
0x14: {  	s2 =	sld [smem:$0x3F9D];
	s0 =	simm.s32 @p1 $0x1  }
0x15: {  	[smem:$0x3FBA] =	sst s0;
	s0 =	simm.s32 @!p2 $0x0  }
0x16: {  	s3 =	sld [smem:$0x3FDB];
	s0 =	simm.s32 @p2 $0x1  }
0x17: {  	s4 =	simm.s32 $0x1BF5;
	[smem:$0x3FBC] =	sst s0  }
0x18: {  	s0 =	sld [smem:$0x3F9F];
	_ =	swait.ge [sflag:s4], $0x0  }
0x19: {  	s7 =	sld [smem:$0x3FA0]  }
0x1a: {  	s8 =	sadd.s32 $0xFFFFE003, lr  }
0x1b: {  	s9 =	sadd.s32 $0xFFFFFEF7, lr;
	s5 =	simm.s32 $0xFFFFFFFF;
	p2 =	slt.u32 s8, $0xFFFFF086  }
0x1c: {  	p1 =	slt.u32 s9, $0xF7A;
	s5 =	simm.s32 @!p2 $0x0  }
0x1d: {  	s5 =	simm.s32 @p1 $0x1;
	p0 =	seq.s32 s7, s2  }
0x1e: {  	s7 =	smul.u32 @!p0 $0xF7A, s2;
	p2 =	seq.s32 @!p0 s5, $0x0  }
0x1f: {  	s9 =	smul.u32 $0xF7A, s1;
	s8 =	simm.s32 @!p0 $0x1BF5;
	p2 =	por !p2, p0  }
0x20: {  	[sflag:s8] =	ssyncset.s32 @!p0 $0xFFFFF086;
	s6 =	sadd.s32 @!p0 s3, s7;
	s7 =	simm.s32 @!p0 $0x108  }
0x21: {  	s3 =	sadd.s32 s3, s9;
	s6 =	sadd.s32 @!p0 $0x88, s6;
	s7 =	simm.s32 @p2 $0x1082  }
0x22: {  	[simem:s7], [sflag:s8] =	dma.local @!p0 [hbm:s6], $0xF7A  }
0x23: {  	s9 =	sor.u32 $0xD0000000, s2;
	s6 =	simm.s32 $0x108;
	_ =	swait.ge @!p0 [sflag:s8], $0x0  }
0x24: {  	s3 =	sadd.s32 $0x88, s3;
	s6 =	simm.s32 @!p1 $0x1082;
	[sflag:s4] =	ssyncset.s32 $0xFFFFF086  }
0x25: {  	[simem:s6], [sflag:s4] =	dma.local [hbm:s3], $0xF7A  }
0x26: {  	[smem:$0x3FA0] =	sst s1;
	(tag) =	ssettag s2;
	_ =	strace s9  }
0x27: {  	s1 =	sld [smem:$0x3FB0]  }
0x28: {  	s2 =	sld [smem:$0x3FB1]  }
0x29: {  	s4 =	sld [smem:$0x3FB3]  }
0x2a: {  	p0 =	seq.s32 s5, $0x0;
	s5 =	sld [smem:$0x3FB4]  }
0x2b: {  	s6 =	sld [smem:$0x3FB5]  }
0x2c: {  	s7 =	sld [smem:$0x3FB6]  }
0x2d: {  	s3 =	simm.s32 $0x108;
	s8 =	sld [smem:$0x3FB7]  }
0x2e: {  	s3 =	simm.s32 @!p0 $0x1082;
	s9 =	sld [smem:$0x3FB8]  }
0x2f: {  	lr =	sadd.s32 s0, s3;
	s0 =	sld [smem:$0x3FAF]  }
0x30: {  	s3 =	sld [smem:$0x3FB2]  }
0x31: {  	[smem:$0x3FBB] =	sst s10  }
0x32: {  	s10 =	sld [smem:$0x3FB9];
	_ =	sdelay $0x3  }
0x33: {  	p0 =	seq.s32 s10, $0x1;
	s10 =	sld [smem:$0x3FBB];
	_ =	sdelay $0x3  }
0x34: {  	[smem:$0x3FBB] =	sst s10  }
0x35: {  	s10 =	sld [smem:$0x3FBA];
	_ =	sdelay $0x3  }
0x36: {  	p1 =	seq.s32 s10, $0x1;
	s10 =	sld [smem:$0x3FBB];
	_ =	sdelay $0x3  }
0x37: {  	[smem:$0x3FBB] =	sst s10  }
0x38: {  	s10 =	sld [smem:$0x3FBC]  }
0x39: {  	_ = 	snop;
	(pc) =	sbr.ind lr, $3  }
0x3a: {  	_ = 	snop  }
0x3b: {  	_ = 	snop  }
0x3c: {  	p2 =	seq.s32 s10, $0x1;
	s10 =	sld [smem:$0x3FBB]  }
0x3d: {  	_ =	shalt  }
0x3e: {  	_ =	shalt  }
0x3f: {  	_ =	shalt  }
0x40: {  	_ =	shalt  }
0x41: {  	_ =	shalt  }
0x42: {  	_ =	shalt  }
0x43: {  	_ =	shalt  }
0x44: {  	_ =	shalt  }
0x45: {  	_ =	shalt  }
0x46: {  	_ =	shalt  }
0x47: {  	_ =	shalt  }
0x48: {  	_ =	shalt  }
0x49: {  	_ =	shalt  }
0x4a: {  	_ =	shalt  }
0x4b: {  	_ =	shalt  }
0x4c: {  	_ =	shalt  }
0x4d: {  	_ =	shalt  }
0x4e: {  	_ =	shalt  }
0x4f: {  	_ =	shalt  }
0x50: {  	_ =	shalt  }
0x51: {  	_ =	shalt  }
0x52: {  	_ =	shalt  }
0x53: {  	_ =	shalt  }
0x54: {  	_ =	shalt  }
0x55: {  	_ =	shalt  }
0x56: {  	_ =	shalt  }
0x57: {  	_ =	shalt  }
0x58: {  	_ =	shalt  }
0x59: {  	_ =	shalt  }
0x5a: {  	_ =	shalt  }
0x5b: {  	_ =	shalt  }
0x5c: {  	_ =	shalt  }
0x5d: {  	_ =	shalt  }
0x5e: {  	_ =	shalt  }
0x5f: {  	_ =	shalt  }
0x60: {  	_ =	shalt  }
0x61: {  	_ =	shalt  }
0x62: {  	_ =	shalt  }
0x63: {  	_ =	shalt  }
0x64: {  	_ =	shalt  }
0x65: {  	_ =	shalt  }
0x66: {  	_ =	shalt  }
0x67: {  	_ =	shalt  }
0x68: {  	_ =	shalt  }
0x69: {  	_ =	shalt  }
0x6a: {  	_ =	shalt  }
0x6b: {  	_ =	shalt  }
0x6c: {  	_ =	shalt  }
0x6d: {  	_ =	shalt  }
0x6e: {  	_ =	shalt  }
0x6f: {  	_ =	shalt  }
0x70: {  	_ =	shalt  }
0x71: {  	_ =	shalt  }
0x72: {  	_ =	shalt  }
0x73: {  	_ =	shalt  }
0x74: {  	_ =	shalt  }
0x75: {  	_ =	shalt  }
0x76: {  	_ =	shalt  }
0x77: {  	_ =	shalt  }
0x78: {  	_ =	shalt  }
0x79: {  	_ =	shalt  }
0x7a: {  	_ =	shalt  }
0x7b: {  	_ =	shalt  }
0x7c: {  	_ =	shalt  }
0x7d: {  	_ =	shalt  }
0x7e: {  	_ =	shalt  }
0x7f: {  	_ =	shalt  }
0x80: {  	_ =	shalt  }
0x81: {  	_ =	shalt  }
0x82: {  	_ =	shalt  }
0x83: {  	_ =	shalt  }
0x84: {  	_ =	shalt  }
0x85: {  	_ =	shalt  }
0x86: {  	_ =	shalt  }
0x87: {  	_ =	shalt  }
.Lfunc_end0:
.L_simem_size_0:
called_computation_lowered:
.L_overlay_start_0:
0x88: {  	s2 =	sld [smem:$0x3FD9]  }
0x89: {  	s3 =	sld [smem:$0x3FFE];
	_ =	sdelay $0x1  }
0x8a: {  	s1 =	srdreg.scid  }
0x8b: {  	s0 =	sand.u32 $0x1, s1  }
0x8c: {  	s17 =	sshll.u32 s0, $0xA;
	s2 =	sadd.s32 s3, s2  }
0x8d: {  	s2 =	sadd.s32 s2, s17  }
0x8e: {  	[smem:$0x3FC7] =	sst s2  }
0x8f: {  	_ = 	snop  }
0x90: {  	s2 =	sld [smem:$0x3FC9];
	(tm) =	ssettm $0x1  }
0x91: {  	s18 =	sld [smem:$0x3FFB];
	_ =	sdelay $0x3  }
0x92: {  	_ =	strace s18  }
0x93: {  	s3 =	sld [smem:$0x3FFC];
	_ =	sdelay $0x3  }
0x94: {  	_ =	strace s3  }
0x95: {  	s3 =	sld [smem:$0x3FFD];
	_ =	sdelay $0x3  }
0x96: {  	_ =	strace s3  }
0x97: {  	_ =	strace $0x8FFFFFFF  }
0x98: {  	s19 =	sld [smem:$0x3FDB];
	_ =	sdelay $0x1  }
0x99: {  	s4 =	simm.s32 $_scs_section_size  }
0x9a: {  	s5 =	simm.s32 $_size__tile_overlayer_lowered;
	s6 =	simm.s32 $_tile_overlayer_lowered  }
0x9b: {  	s22 =	simm.s32 $0x1BFF;
	s21 =	sshll.u32 s6, $0x1;
	s3 =	sadd.s32 s4, s19  }
0x9c: {  	s7 =	simm.s32 $0x0;
	s20 =	sshll.u32 s5, $0x1;
	s5 =	sadd.s32 s21, s3  }
0x9d: {  	[timem:s7], [sflag:s22] =	dma.local [hbm:s5], s20  }
0x9e: {  	_ =	swait.ge [sflag:s22], s20  }
0x9f: {  	s4 =	ssub.s32 $0x0, s20;
	[sflag:s22] =	ssyncset.done $0x0  }
0xa0: {  	[sflag:s22] =	ssyncadd.s32 s4;
	_ =	sdelay $0x1  }
0xa1: {  	s23 =	simm.s32 $0x1B8B  }
0xa2: {  	_ =	swait.ge [sflag:s23], $0x1  }
0xa3: {  	[sflag:s23] =	ssyncset.done $0x0  }
0xa4: {  	s25 =	simm.s32 $0x1B8E;
	s24 =	sld [smem:$0x3FFE];
	[sflag:s23] =	ssyncadd.s32 $0xFFFFFFFF  }
0xa5: {  	s26 =	simm.s32 $execute0_lowered;
	[smem:$0x3FD2] =	sst s25  }
0xa6: {  	s5 =	sshll.u32 s26, $0x1;
	_ =	strace $0x80000046;
	[dreg:$0x1] =	wrdreg $0xFFFFFFFF  }
0xa7: {  	s28 =	simm.s32 $_size_execute0_lowered;
	s3 =	sadd.s32 s3, s5;
	[dreg:$0x0] =	wrdreg $0x0  }
0xa8: {  	s5 =	sshll.u32 s28, $0x1;
	[dreg:$0x2] =	wrdreg s3  }
0xa9: {  	[dreg:$0x3] =	wrdreg s5  }
0xaa: {  	[dreg:$0x4] =	wrdreg $0xC0  }
0xab: {  	_ =	task [dreg:s7], $0x5FFFF  }
0xac: {  	[dreg:$0x1] =	wrdreg $0xFFFFFFFF  }
0xad: {  	[dreg:$0x0] =	wrdreg $0x60  }
0xae: {  	[dreg:$0x2] =	wrdreg s2  }
0xaf: {  	[dreg:$0x3] =	wrdreg s24  }
0xb0: {  	[dreg:$0x4] =	wrdreg $0x9  }
0xb1: {  	_ =	task.clear_ibuf [dreg:s7], $0x5FFFF;
	_ =	strace $0x90000046  }
0xb2: {  	s29 =	simm.s32 $0x9;
	_ =	strace $0x80000048  }
0xb3: {  	_ =	swait.ge [sflag:s29], $0x1  }
0xb4: {  	[sflag:s29] =	ssyncadd.s32 $0xFFFFFFFF  }
0xb5: {  	_ =	strace $0x90000048  }
0xb6: {  	_ =	sfence  }
0xb7: {  	s30 =	sld [smem:$0x0];
	_ =	sdelay $0x2  }
0xb8: {  	s31 =	sshll.u32 s1, $0xD;
	s1 =	sshrl.u32 s1, $0x2  }
0xb9: {  	s3 =	sand.u32 $0x4000, s31;
	s1 =	sadd.s32 s1, s30  }
0xba: {  	s0 =	sor.u32 s3, s0;
	s1 =	sshll.u32 s1, $0x11  }
0xbb: {  	s0 =	sor.u32 s1, s0  }
0xbc: {  	s0 =	sadd.s32 $0x8F2B, s0  }
0xbd: {  	[sflag:s0] =	ssyncadd.remote.s32 $0x1  }
0xbe: {  	_ =	sfence.sel $0xFFFF  }
0xbf: {  	[dreg:$0x0] =	wrdreg $0xFFFFFFFF;
	(pc) =	sbr.abs _section_cstart, $3  }
0xc0: {  	[dreg:$0x1] =	wrdreg $0xFFFFFFFF  }
0xc1: {  	_ =	task.clear_ibuf [dreg:s7], $0x2FFFF;
	_ =	strace $0x9FFFFFFF  }
0xc2: {  	(tm) =	ssettm $0x7FFFFFFF  }
0xc3: {  	_ =	shalt  }
tec
execute0_lowered:
.L_overlay_start_1:
0x0: {  	(tag) =	ssettag $0x1  }
0x1: {  	s0 =	rddreg [dreg:$0x0]  }
0x2: {  	s1 =	rddreg [dreg:$0x1]  }
0x3: {  	s2 =	simm.s32 $0x0;
	s3 =	srdreg.scid;
	s4 =	stileid.u32  }
0x4: {  	s28 =	simm.s32 $0x2;
	s29 =	simm.s32 $0x3;
	s30 =	simm.s32 $0x0  }
0x5: {  	[smem:$0x7FF] =	sst s2;
	s3 =	sand.u32 $0x1, s3;
	s4 =	sshll.u32 s4, $0x1  }
0x6: {  	s1 =	sadd.s32 $0x400, s1;
	s5 =	ssub.s32 $0x2, s3;
	s3 =	sor.u32 s3, s4  }
0x7: {  	_ =	strace $0x80000047;
	s14 =	sshrl.u32 s5, $0x1;
	s13 =	sshll.u32 s3, $0xF  }
0x8: {  	s15 =	sshll.u32 s3, $0x12;
	s3 =	sshll.u32 s3, $0xD;
	s19 =	ssub.s32 s5, s14  }
0x9: {  	s7 =	sor.u32 $0x1000, s13;
	s4 =	sadd.s32 s0, s15;
	s10 =	sor.u32 $0x2000, s13  }
0xa: {  	v0 =	vimm.s32 $0x88800800;
	s3 =	sadd.s32 s1, s3;
	s20 =	sor.u32 $0x3000, s13;
	s14 =	sor.u32 $0x4000, s13  }
0xb: {  	v0 =	vunpack.c.0.s8.s32 v0;
	s24 =	sor.u32 $0x6000, s13;
	[dreg:$0x3] =	wrdreg s4;
	s16 =	sshll.u32 s7, $0x3  }
0xc: {  	s17 =	sshll.u32 s10, $0x3;
	[dreg:$0x6] =	wrdreg s3;
	s8 =	sshll.u32 s20, $0x3  }
0xd: {  	vm0 =	vcmask $0xF00;
	v0 =	vand.u32 $0xFF, v0;
	s9 =	sshrl.u32 s7, $0x2;
	s23 =	sshll.u32 s14, $0x3;
	s10 =	sshrl.u32 s10, $0x2  }
0xe: {  	vm5 =	vcmask $0x1310;
	v0 =	vnsel vm0, $0x388, v0;
	s3 =	sshrl.u32 s20, $0x2;
	s15 =	sshll.u32 s24, $0x3;
	s14 =	sshrl.u32 s14, $0x2  }
0xf: {  	vm6 =	vcmask $0x1714;
	v0 =	vsel vm5, $0x100, v0;
	s19 =	smax.u32 s19, $0x1;
	s20 =	simm.s32 $0x8;
	s4 =	sadd.s32 s0, s16  }
0x10: {  	vm7 =	vcmask $0x1B18;
	s18 =	sadd.s32 s0, s17;
	s21 =	sadd.s32 s0, s8;
	s22 =	sadd.s32 s1, s9;
	v0 =	vsel vm6, $0x108, v0  }
0x11: {  	vm8 =	vcmask $0x1F1C;
	s9 =	sadd.s32 s0, s23;
	s16 =	sor.u32 $0x5000, s13;
	[dreg:$0x4] =	wrdreg s4;
	v0 =	vsel vm7, $0x180, v0  }
0x12: {  	vm9 =	vcmask $0x2320;
	s10 =	sadd.s32 s1, s10;
	s12 =	sadd.s32 s1, s3;
	[dreg:$0x5] =	wrdreg s18;
	v0 =	vsel vm8, $0x188, v0  }
0x13: {  	vm10 =	vcmask $0x2724;
	s14 =	sadd.s32 s1, s14;
	s3 =	sshrl.u32 s24, $0x2;
	[dreg:$0x7] =	wrdreg s21;
	v0 =	vsel vm9, $0x200, v0  }
0x14: {  	vm11 =	vcmask $0x2B28;
	s23 =	simm.s32 $0x1;
	s24 =	simm.s32 $0x10000;
	[dreg:$0x8] =	wrdreg s22;
	v0 =	vsel vm10, $0x208, v0  }
0x15: {  	vm12 =	vcmask $0x2F2C;
	s11 =	sshll.u32 s16, $0x3;
	s18 =	sor.u32 $0x7000, s13;
	s13 =	sadd.s32 s0, s15;
	v0 =	vsel vm11, $0x280, v0  }
0x16: {  	vm13 =	vcmask $0x3330;
	s26 =	sshrl.u32 s16, $0x2;
	s17 =	sadd.s32 s1, s3;
	s21 =	simm.s32 $0x40;
	v0 =	vsel vm12, $0x288, v0  }
0x17: {  	vm14 =	vcmask $0x3734;
	s22 =	simm.s32 $0x8000;
	s11 =	sadd.s32 s0, s11;
	s25 =	sshll.u32 s18, $0x3;
	v0 =	vsel vm13, $0x300, v0  }
0x18: {  	vm15 =	vcmask $0x3B38;
	s16 =	sadd.s32 s1, s26;
	s31 =	sshrl.u32 s18, $0x2;
	s26 =	simm.s32 $0x4;
	v0 =	vsel vm14, $0x308, v0  }
0x19: {  	s15 =	sadd.s32 s0, s25;
	s18 =	sadd.s32 s1, s31;
	s25 =	simm.s32 $0x18000;
	v0 =	vsel vm15, $0x380, v0  }
.LBB2_1:
0x1a: {  	s0 =	rddreg [dreg:$0x3];
	s31 =	simm.s32 $0x0  }
0x1b: {  	[tilespmem:s2], [sflag:$0x1] =	stream.strided.gather [hbm4b:s0+s20], $0x8000, s21, s20, $0x38;
	[tilespmem:$0x1A000] =	vst v63  }
0x1c: {  	s0 =	sand.u32 $0x2, s31  }
0x1d: {  	s3 =	sand.u32 $0xE00, s2;
	s1 =	simm.s32 $0x0;
	s4 =	sshll.u32 s0, $0x7  }
0x1e: {  	s5 =	sand.u32 $0xE, s1;
	s4 =	sor.u32 s4, s3  }
0x1f: {  	s1 =	sor.u32 s5, s4  }
0x20: {  	s6 =	rddreg [dreg:$0x4];
	v1 =	vmov s1  }
0x21: {  	[tilespmem:s22], [sflag:$0x2] =	stream.strided.gather [hbm4b:s6+s20], $0x8000, s21, s20, $0x38;
	v1 =	vshll.u32 v1, $0x3;
	[tilespmem:$0x1A000] =	vst v63  }
0x22: {  	s1 =	sor.u32 $0x1, s0;
	v1 =	vor.u32 v0, v1  }
0x23: {  	_ =	swait.ge [sflag:s23], $0x8000;
	s8 =	sshll.u32 s1, $0x7  }
0x24: {  	[sflag:s23] =	ssyncset.done $0x0;
	s3 =	sor.u32 s3, s8  }
0x25: {  	s7 =	rddreg [dreg:$0x5];
	[sflag:s23] =	ssyncadd.s32 $0xFFFF8000;
	s3 =	sor.u32 s5, s3  }
0x26: {  	[tilespmem:s24], [sflag:$0x3] =	stream.strided.gather [hbm4b:s7+s20], $0x8000, s21, s20, $0x38;
	v2 =	vmov s3;
	[tilespmem:$0x1A000] =	vst v63  }
0x27: {  	s3 =	simm.s32 $0x20;
	v2 =	vshll.u32 v2, $0x3;
	v1 =	vld.idx.msk [tilespmem:v1+s2+$0x0], $0xffff  }
.LBB2_2:
0x28: {  	s4 =	sand.u32 $0xE00, s3;
	s5 =	sshll.u32 s31, $0x5;
	s31 =	sadd.s32 $0x2, s31;
	v2 =	vor.u32 v0, v2  }
0x29: {  	s6 =	sand.u32 $0x2, s31;
	s7 =	sshrl.u32 s31, $0x1;
	s5 =	sand.u32 $0x3FFFFF80, s5  }
0x2a: {  	s0 =	sshll.u32 s0, $0x4;
	s8 =	sshll.u32 s6, $0x7;
	s5 =	sadd.s32 $0x18000, s5  }
0x2b: {  	s7 =	sand.u32 $0xE, s7;
	s8 =	sor.u32 s8, s4;
	s0 =	sor.u32 s0, s5  }
0x2c: {  	p0 =	slt.u32 s31, $0xFE;
	s8 =	sor.u32 s7, s8;
	[tilespmem:s0+$0x0] =	vst v1;
	s0 =	smov.u32 s6  }
0x2d: {  	v1 =	vmov s8;
	v2 =	vld.idx.msk [tilespmem:v2+s2+$0x0], $0xffff  }
0x2e: {  	v1 =	vshll.u32 v1, $0x3  }
0x2f: {  	v1 =	vor.u32 v0, v1  }
0x30: {  	s6 =	sor.u32 $0x1, s0  }
.Ltmp0:
0x31: {  	s1 =	sshll.u32 s1, $0x4;
	s8 =	sshll.u32 s6, $0x7;
	(pc) =	sbr.rel @p0 .LBB2_2-.Ltmp0, $4  }
0x32: {  	s5 =	sor.u32 s1, s5;
	s1 =	smov.u32 s6;
	s4 =	sor.u32 s4, s8  }
0x33: {  	s4 =	sor.u32 s7, s4;
	[tilespmem:s5+$0x0] =	vst v2  }
0x34: {  	v2 =	vmov s4;
	v1 =	vld.idx.msk [tilespmem:v1+s2+$0x0], $0xffff  }
0x35: {  	s3 =	sadd.s32 $0x20, s3;
	v2 =	vshll.u32 v2, $0x3  }
0x36: {  	s3 =	sshll.u32 s31, $0x5;
	v2 =	vor.u32 v0, v2  }
0x37: {  	s3 =	sand.u32 $0x3FFFFF80, s3  }
0x38: {  	s0 =	sshll.u32 s0, $0x4;
	s3 =	sadd.s32 $0x18000, s3  }
0x39: {  	s0 =	sor.u32 s0, s3  }
0x3a: {  	[tilespmem:s0+$0x0] =	vst v1  }
0x3b: {  	v1 =	vld.idx.msk [tilespmem:v2+s2+$0x0], $0xffff;
	_ =	sdelay $0x2  }
0x3c: {  	s1 =	sshll.u32 s1, $0x4  }
0x3d: {  	s5 =	rddreg [dreg:$0x6];
	s31 =	simm.s32 $0x0;
	s0 =	sor.u32 s1, s3  }
0x3e: {  	s4 =	simm.s32 $0x0;
	s3 =	simm.s32 $0x0;
	[tilespmem:s0+$0x0] =	vst v1;
	s0 =	sand.u32 $0x2, s31  }
0x3f: {  	[hbm4b:s5+s3] =	stream.linear.scatter [tilespmem:s25], [sflag:$0x4], $0x2000, $0x38;
	[tilespmem:$0x1A000] =	vst v63  }
0x40: {  	s6 =	sand.u32 $0xE00, s3;
	s5 =	sshll.u32 s0, $0x7;
	_ =	swait.ge [sflag:s26], $0x2000  }
0x41: {  	s4 =	sand.u32 $0xE, s4;
	s5 =	sor.u32 s5, s6;
	[sflag:s26] =	ssyncset.done $0x0  }
0x42: {  	s5 =	sor.u32 s4, s5;
	[sflag:s26] =	ssyncadd.s32 $0xFFFFE000  }
0x43: {  	v1 =	vmov s5;
	_ =	swait.ge [sflag:s28], $0x8000  }
0x44: {  	s1 =	sor.u32 $0x1, s0;
	v1 =	vshll.u32 v1, $0x3;
	[sflag:s28] =	ssyncset.done $0x0  }
0x45: {  	s8 =	sshll.u32 s1, $0x7;
	s7 =	rddreg [dreg:$0x7];
	v1 =	vor.u32 v0, v1;
	[sflag:s28] =	ssyncadd.s32 $0xFFFF8000  }
0x46: {  	[tilespmem:s3], [sflag:$0x1] =	stream.strided.gather [hbm4b:s7+s20], $0x8000, s21, s20, $0x38;
	[tilespmem:$0x1A000] =	vst v63  }
0x47: {  	s3 =	sor.u32 s6, s8  }
0x48: {  	s3 =	sor.u32 s4, s3  }
0x49: {  	v2 =	vmov s3  }
0x4a: {  	s3 =	simm.s32 $0x20;
	v1 =	vld.idx.msk [tilespmem:v1+s22+$0x0], $0xffff;
	v2 =	vshll.u32 v2, $0x3  }
.LBB2_4:
0x4b: {  	s4 =	sand.u32 $0xE00, s3;
	s5 =	sshll.u32 s31, $0x5;
	s31 =	sadd.s32 $0x2, s31;
	v2 =	vor.u32 v0, v2  }
0x4c: {  	s6 =	sand.u32 $0x2, s31;
	s7 =	sshrl.u32 s31, $0x1;
	s5 =	sand.u32 $0x3FFFFF80, s5  }
0x4d: {  	s0 =	sshll.u32 s0, $0x4;
	s8 =	sshll.u32 s6, $0x7;
	s5 =	sadd.s32 $0x18000, s5  }
0x4e: {  	s7 =	sand.u32 $0xE, s7;
	s8 =	sor.u32 s8, s4;
	s0 =	sor.u32 s0, s5  }
0x4f: {  	p0 =	slt.u32 s31, $0xFE;
	s8 =	sor.u32 s7, s8;
	[tilespmem:s0+$0x0] =	vst v1;
	s0 =	smov.u32 s6  }
0x50: {  	v1 =	vmov s8;
	v2 =	vld.idx.msk [tilespmem:v2+s22+$0x0], $0xffff  }
0x51: {  	v1 =	vshll.u32 v1, $0x3  }
0x52: {  	v1 =	vor.u32 v0, v1  }
0x53: {  	s6 =	sor.u32 $0x1, s0  }
.Ltmp1:
0x54: {  	s1 =	sshll.u32 s1, $0x4;
	s8 =	sshll.u32 s6, $0x7;
	(pc) =	sbr.rel @p0 .LBB2_4-.Ltmp1, $4  }
0x55: {  	s5 =	sor.u32 s1, s5;
	s1 =	smov.u32 s6;
	s4 =	sor.u32 s4, s8  }
0x56: {  	s4 =	sor.u32 s7, s4;
	[tilespmem:s5+$0x0] =	vst v2  }
0x57: {  	v2 =	vmov s4;
	v1 =	vld.idx.msk [tilespmem:v1+s22+$0x0], $0xffff  }
0x58: {  	s3 =	sadd.s32 $0x20, s3;
	v2 =	vshll.u32 v2, $0x3  }
0x59: {  	s3 =	sshll.u32 s31, $0x5;
	v2 =	vor.u32 v0, v2  }
0x5a: {  	s3 =	sand.u32 $0x3FFFFF80, s3  }
0x5b: {  	s0 =	sshll.u32 s0, $0x4;
	s3 =	sadd.s32 $0x18000, s3  }
0x5c: {  	s0 =	sor.u32 s0, s3  }
0x5d: {  	[tilespmem:s0+$0x0] =	vst v1  }
0x5e: {  	v1 =	vld.idx.msk [tilespmem:v2+s22+$0x0], $0xffff;
	_ =	sdelay $0x2  }
0x5f: {  	s1 =	sshll.u32 s1, $0x4  }
0x60: {  	s31 =	simm.s32 $0x0;
	s0 =	sor.u32 s1, s3  }
0x61: {  	s4 =	simm.s32 $0x0;
	s5 =	rddreg [dreg:$0x8];
	[tilespmem:s0+$0x0] =	vst v1;
	s0 =	sand.u32 $0x2, s31  }
0x62: {  	[hbm4b:s5+s4] =	stream.linear.scatter [tilespmem:s25], [sflag:$0x4], $0x2000, $0x38;
	[tilespmem:$0x1A000] =	vst v63  }
0x63: {  	s7 =	simm.s32 $0x0;
	s6 =	sand.u32 $0xE00, s4;
	s4 =	sshll.u32 s0, $0x7  }
0x64: {  	s5 =	sand.u32 $0xE, s7;
	s4 =	sor.u32 s4, s6  }
0x65: {  	s1 =	sor.u32 s5, s4  }
0x66: {  	_ =	swait.ge [sflag:s26], $0x2000;
	v1 =	vmov s1  }
0x67: {  	[sflag:s26] =	ssyncset.done $0x0;
	v1 =	vshll.u32 v1, $0x3  }
0x68: {  	[sflag:s26] =	ssyncadd.s32 $0xFFFFE000;
	s1 =	sor.u32 $0x1, s0;
	v1 =	vor.u32 v0, v1  }
0x69: {  	_ =	swait.ge [sflag:s29], $0x8000;
	s8 =	sshll.u32 s1, $0x7  }
0x6a: {  	[sflag:s29] =	ssyncset.done $0x0;
	s3 =	sor.u32 s6, s8  }
0x6b: {  	[sflag:s29] =	ssyncadd.s32 $0xFFFF8000;
	s3 =	sor.u32 s5, s3  }
0x6c: {  	[tilespmem:s22], [sflag:$0x2] =	stream.strided.gather [hbm4b:s9+s20], $0x8000, s21, s20, $0x38;
	v2 =	vmov s3;
	[tilespmem:$0x1A000] =	vst v63  }
0x6d: {  	s3 =	simm.s32 $0x20;
	v2 =	vshll.u32 v2, $0x3;
	v1 =	vld.idx.msk [tilespmem:v1+s24+$0x0], $0xffff  }
.LBB2_6:
0x6e: {  	s4 =	sand.u32 $0xE00, s3;
	s5 =	sshll.u32 s31, $0x5;
	s31 =	sadd.s32 $0x2, s31;
	v2 =	vor.u32 v0, v2  }
0x6f: {  	s6 =	sand.u32 $0x2, s31;
	s7 =	sshrl.u32 s31, $0x1;
	s5 =	sand.u32 $0x3FFFFF80, s5  }
0x70: {  	s0 =	sshll.u32 s0, $0x4;
	s8 =	sshll.u32 s6, $0x7;
	s5 =	sadd.s32 $0x18000, s5  }
0x71: {  	s7 =	sand.u32 $0xE, s7;
	s8 =	sor.u32 s8, s4;
	s0 =	sor.u32 s0, s5  }
0x72: {  	p0 =	slt.u32 s31, $0xFE;
	s8 =	sor.u32 s7, s8;
	[tilespmem:s0+$0x0] =	vst v1;
	s0 =	smov.u32 s6  }
0x73: {  	v1 =	vmov s8;
	v2 =	vld.idx.msk [tilespmem:v2+s24+$0x0], $0xffff  }
0x74: {  	v1 =	vshll.u32 v1, $0x3  }
0x75: {  	v1 =	vor.u32 v0, v1  }
0x76: {  	s6 =	sor.u32 $0x1, s0  }
.Ltmp2:
0x77: {  	s1 =	sshll.u32 s1, $0x4;
	s8 =	sshll.u32 s6, $0x7;
	(pc) =	sbr.rel @p0 .LBB2_6-.Ltmp2, $4  }
0x78: {  	s5 =	sor.u32 s1, s5;
	s1 =	smov.u32 s6;
	s4 =	sor.u32 s4, s8  }
0x79: {  	s4 =	sor.u32 s7, s4;
	[tilespmem:s5+$0x0] =	vst v2  }
0x7a: {  	v2 =	vmov s4;
	v1 =	vld.idx.msk [tilespmem:v1+s24+$0x0], $0xffff  }
0x7b: {  	s3 =	sadd.s32 $0x20, s3;
	v2 =	vshll.u32 v2, $0x3  }
0x7c: {  	s3 =	sshll.u32 s31, $0x5;
	v2 =	vor.u32 v0, v2  }
0x7d: {  	s3 =	sand.u32 $0x3FFFFF80, s3  }
0x7e: {  	s0 =	sshll.u32 s0, $0x4;
	s3 =	sadd.s32 $0x18000, s3  }
0x7f: {  	s0 =	sor.u32 s0, s3  }
0x80: {  	[tilespmem:s0+$0x0] =	vst v1  }
0x81: {  	v1 =	vld.idx.msk [tilespmem:v2+s24+$0x0], $0xffff;
	_ =	sdelay $0x2  }
0x82: {  	s4 =	sshll.u32 s1, $0x4  }
0x83: {  	s31 =	simm.s32 $0x0;
	s0 =	sor.u32 s4, s3  }
0x84: {  	s5 =	simm.s32 $0x0;
	[tilespmem:s0+$0x0] =	vst v1;
	s0 =	sand.u32 $0x2, s31  }
0x85: {  	[hbm4b:s10+s5] =	stream.linear.scatter [tilespmem:s25], [sflag:$0x4], $0x2000, $0x38;
	[tilespmem:$0x1A000] =	vst v63  }
0x86: {  	s7 =	simm.s32 $0x0;
	s6 =	sand.u32 $0xE00, s5;
	s4 =	sshll.u32 s0, $0x7  }
0x87: {  	s5 =	sand.u32 $0xE, s7;
	s4 =	sor.u32 s4, s6  }
0x88: {  	s1 =	sor.u32 s5, s4  }
0x89: {  	_ =	swait.ge [sflag:s26], $0x2000;
	v1 =	vmov s1  }
0x8a: {  	[sflag:s26] =	ssyncset.done $0x0;
	v1 =	vshll.u32 v1, $0x3  }
0x8b: {  	[sflag:s26] =	ssyncadd.s32 $0xFFFFE000;
	s1 =	sor.u32 $0x1, s0;
	v1 =	vor.u32 v0, v1  }
0x8c: {  	_ =	swait.ge [sflag:s23], $0x8000;
	s8 =	sshll.u32 s1, $0x7  }
0x8d: {  	[sflag:s23] =	ssyncset.done $0x0;
	s3 =	sor.u32 s6, s8  }
0x8e: {  	[sflag:s23] =	ssyncadd.s32 $0xFFFF8000;
	s3 =	sor.u32 s5, s3  }
0x8f: {  	[tilespmem:s24], [sflag:$0x3] =	stream.strided.gather [hbm4b:s11+s20], $0x8000, s21, s20, $0x38;
	v2 =	vmov s3;
	[tilespmem:$0x1A000] =	vst v63  }
0x90: {  	s3 =	simm.s32 $0x20;
	v2 =	vshll.u32 v2, $0x3;
	v1 =	vld.idx.msk [tilespmem:v1+s2+$0x0], $0xffff  }
.LBB2_8:
0x91: {  	s4 =	sand.u32 $0xE00, s3;
	s5 =	sshll.u32 s31, $0x5;
	s31 =	sadd.s32 $0x2, s31;
	v2 =	vor.u32 v0, v2  }
0x92: {  	s6 =	sand.u32 $0x2, s31;
	s7 =	sshrl.u32 s31, $0x1;
	s5 =	sand.u32 $0x3FFFFF80, s5  }
0x93: {  	s0 =	sshll.u32 s0, $0x4;
	s8 =	sshll.u32 s6, $0x7;
	s5 =	sadd.s32 $0x18000, s5  }
0x94: {  	s7 =	sand.u32 $0xE, s7;
	s8 =	sor.u32 s8, s4;
	s0 =	sor.u32 s0, s5  }
0x95: {  	p0 =	slt.u32 s31, $0xFE;
	s8 =	sor.u32 s7, s8;
	[tilespmem:s0+$0x0] =	vst v1;
	s0 =	smov.u32 s6  }
0x96: {  	v1 =	vmov s8;
	v2 =	vld.idx.msk [tilespmem:v2+s2+$0x0], $0xffff  }
0x97: {  	v1 =	vshll.u32 v1, $0x3  }
0x98: {  	v1 =	vor.u32 v0, v1  }
0x99: {  	s6 =	sor.u32 $0x1, s0  }
.Ltmp3:
0x9a: {  	s1 =	sshll.u32 s1, $0x4;
	s8 =	sshll.u32 s6, $0x7;
	(pc) =	sbr.rel @p0 .LBB2_8-.Ltmp3, $4  }
0x9b: {  	s5 =	sor.u32 s1, s5;
	s1 =	smov.u32 s6;
	s4 =	sor.u32 s4, s8  }
0x9c: {  	s4 =	sor.u32 s7, s4;
	[tilespmem:s5+$0x0] =	vst v2  }
0x9d: {  	v2 =	vmov s4;
	v1 =	vld.idx.msk [tilespmem:v1+s2+$0x0], $0xffff  }
0x9e: {  	s3 =	sadd.s32 $0x20, s3;
	v2 =	vshll.u32 v2, $0x3  }
0x9f: {  	s3 =	sshll.u32 s31, $0x5;
	v2 =	vor.u32 v0, v2  }
0xa0: {  	s3 =	sand.u32 $0x3FFFFF80, s3  }
0xa1: {  	s0 =	sshll.u32 s0, $0x4;
	s3 =	sadd.s32 $0x18000, s3  }
0xa2: {  	s0 =	sor.u32 s0, s3  }
0xa3: {  	[tilespmem:s0+$0x0] =	vst v1  }
0xa4: {  	v1 =	vld.idx.msk [tilespmem:v2+s2+$0x0], $0xffff;
	_ =	sdelay $0x2  }
0xa5: {  	s5 =	sshll.u32 s1, $0x4  }
0xa6: {  	s31 =	simm.s32 $0x0;
	s0 =	sor.u32 s5, s3  }
0xa7: {  	s6 =	simm.s32 $0x0;
	[tilespmem:s0+$0x0] =	vst v1;
	s0 =	sand.u32 $0x2, s31  }
0xa8: {  	[hbm4b:s12+s6] =	stream.linear.scatter [tilespmem:s25], [sflag:$0x4], $0x2000, $0x38;
	[tilespmem:$0x1A000] =	vst v63  }
0xa9: {  	s4 =	simm.s32 $0x0;
	s7 =	sand.u32 $0xE00, s6;
	s5 =	sshll.u32 s0, $0x7  }
0xaa: {  	s4 =	sand.u32 $0xE, s4;
	s5 =	sor.u32 s5, s7  }
0xab: {  	s5 =	sor.u32 s4, s5  }
0xac: {  	_ =	swait.ge [sflag:s26], $0x2000;
	v1 =	vmov s5  }
0xad: {  	[sflag:s26] =	ssyncset.done $0x0;
	v1 =	vshll.u32 v1, $0x3  }
0xae: {  	s1 =	sor.u32 $0x1, s0;
	[sflag:s26] =	ssyncadd.s32 $0xFFFFE000;
	v1 =	vor.u32 v0, v1  }
0xaf: {  	s8 =	sshll.u32 s1, $0x7;
	_ =	swait.ge [sflag:s28], $0x8000  }
0xb0: {  	s3 =	sor.u32 s7, s8;
	[sflag:s28] =	ssyncset.done $0x0  }
0xb1: {  	s3 =	sor.u32 s4, s3;
	[sflag:s28] =	ssyncadd.s32 $0xFFFF8000  }
0xb2: {  	v2 =	vmov s3;
	[tilespmem:s6], [sflag:$0x1] =	stream.strided.gather [hbm4b:s13+s20], $0x8000, s21, s20, $0x38;
	[tilespmem:$0x1A000] =	vst v63  }
0xb3: {  	s3 =	simm.s32 $0x20;
	v2 =	vshll.u32 v2, $0x3;
	v1 =	vld.idx.msk [tilespmem:v1+s22+$0x0], $0xffff  }
.LBB2_10:
0xb4: {  	s4 =	sand.u32 $0xE00, s3;
	s5 =	sshll.u32 s31, $0x5;
	s31 =	sadd.s32 $0x2, s31;
	v2 =	vor.u32 v0, v2  }
0xb5: {  	s6 =	sand.u32 $0x2, s31;
	s7 =	sshrl.u32 s31, $0x1;
	s5 =	sand.u32 $0x3FFFFF80, s5  }
0xb6: {  	s0 =	sshll.u32 s0, $0x4;
	s8 =	sshll.u32 s6, $0x7;
	s5 =	sadd.s32 $0x18000, s5  }
0xb7: {  	s7 =	sand.u32 $0xE, s7;
	s8 =	sor.u32 s8, s4;
	s0 =	sor.u32 s0, s5  }
0xb8: {  	p0 =	slt.u32 s31, $0xFE;
	s8 =	sor.u32 s7, s8;
	[tilespmem:s0+$0x0] =	vst v1;
	s0 =	smov.u32 s6  }
0xb9: {  	v1 =	vmov s8;
	v2 =	vld.idx.msk [tilespmem:v2+s22+$0x0], $0xffff  }
0xba: {  	v1 =	vshll.u32 v1, $0x3  }
0xbb: {  	v1 =	vor.u32 v0, v1  }
0xbc: {  	s6 =	sor.u32 $0x1, s0  }
.Ltmp4:
0xbd: {  	s1 =	sshll.u32 s1, $0x4;
	s8 =	sshll.u32 s6, $0x7;
	(pc) =	sbr.rel @p0 .LBB2_10-.Ltmp4, $4  }
0xbe: {  	s5 =	sor.u32 s1, s5;
	s1 =	smov.u32 s6;
	s4 =	sor.u32 s4, s8  }
0xbf: {  	s4 =	sor.u32 s7, s4;
	[tilespmem:s5+$0x0] =	vst v2  }
0xc0: {  	v2 =	vmov s4;
	v1 =	vld.idx.msk [tilespmem:v1+s22+$0x0], $0xffff  }
0xc1: {  	s3 =	sadd.s32 $0x20, s3;
	v2 =	vshll.u32 v2, $0x3  }
0xc2: {  	s3 =	sshll.u32 s31, $0x5;
	v2 =	vor.u32 v0, v2  }
0xc3: {  	s3 =	sand.u32 $0x3FFFFF80, s3  }
0xc4: {  	s0 =	sshll.u32 s0, $0x4;
	s3 =	sadd.s32 $0x18000, s3  }
0xc5: {  	s0 =	sor.u32 s0, s3  }
0xc6: {  	[tilespmem:s0+$0x0] =	vst v1  }
0xc7: {  	v1 =	vld.idx.msk [tilespmem:v2+s22+$0x0], $0xffff;
	_ =	sdelay $0x2  }
0xc8: {  	s4 =	sshll.u32 s1, $0x4  }
0xc9: {  	s31 =	simm.s32 $0x0;
	s0 =	sor.u32 s4, s3  }
0xca: {  	s5 =	simm.s32 $0x0;
	[tilespmem:s0+$0x0] =	vst v1;
	s0 =	sand.u32 $0x2, s31  }
0xcb: {  	[hbm4b:s14+s5] =	stream.linear.scatter [tilespmem:s25], [sflag:$0x4], $0x2000, $0x38;
	[tilespmem:$0x1A000] =	vst v63  }
0xcc: {  	s7 =	simm.s32 $0x0;
	s6 =	sand.u32 $0xE00, s5;
	s4 =	sshll.u32 s0, $0x7  }
0xcd: {  	s5 =	sand.u32 $0xE, s7;
	s4 =	sor.u32 s4, s6  }
0xce: {  	s1 =	sor.u32 s5, s4  }
0xcf: {  	_ =	swait.ge [sflag:s26], $0x2000;
	v1 =	vmov s1  }
0xd0: {  	[sflag:s26] =	ssyncset.done $0x0;
	v1 =	vshll.u32 v1, $0x3  }
0xd1: {  	[sflag:s26] =	ssyncadd.s32 $0xFFFFE000;
	s1 =	sor.u32 $0x1, s0;
	v1 =	vor.u32 v0, v1  }
0xd2: {  	_ =	swait.ge [sflag:s29], $0x8000;
	s8 =	sshll.u32 s1, $0x7  }
0xd3: {  	[sflag:s29] =	ssyncset.done $0x0;
	s3 =	sor.u32 s6, s8  }
0xd4: {  	[sflag:s29] =	ssyncadd.s32 $0xFFFF8000;
	s3 =	sor.u32 s5, s3  }
0xd5: {  	[tilespmem:s22], [sflag:$0x2] =	stream.strided.gather [hbm4b:s15+s20], $0x8000, s21, s20, $0x38;
	v2 =	vmov s3;
	[tilespmem:$0x1A000] =	vst v63  }
0xd6: {  	s3 =	simm.s32 $0x20;
	v2 =	vshll.u32 v2, $0x3;
	v1 =	vld.idx.msk [tilespmem:v1+s24+$0x0], $0xffff  }
.LBB2_12:
0xd7: {  	s4 =	sand.u32 $0xE00, s3;
	s5 =	sshll.u32 s31, $0x5;
	s31 =	sadd.s32 $0x2, s31;
	v2 =	vor.u32 v0, v2  }
0xd8: {  	s6 =	sand.u32 $0x2, s31;
	s7 =	sshrl.u32 s31, $0x1;
	s5 =	sand.u32 $0x3FFFFF80, s5  }
0xd9: {  	s0 =	sshll.u32 s0, $0x4;
	s8 =	sshll.u32 s6, $0x7;
	s5 =	sadd.s32 $0x18000, s5  }
0xda: {  	s7 =	sand.u32 $0xE, s7;
	s8 =	sor.u32 s8, s4;
	s0 =	sor.u32 s0, s5  }
0xdb: {  	p0 =	slt.u32 s31, $0xFE;
	s8 =	sor.u32 s7, s8;
	[tilespmem:s0+$0x0] =	vst v1;
	s0 =	smov.u32 s6  }
0xdc: {  	v1 =	vmov s8;
	v2 =	vld.idx.msk [tilespmem:v2+s24+$0x0], $0xffff  }
0xdd: {  	v1 =	vshll.u32 v1, $0x3  }
0xde: {  	v1 =	vor.u32 v0, v1  }
0xdf: {  	s6 =	sor.u32 $0x1, s0  }
.Ltmp5:
0xe0: {  	s1 =	sshll.u32 s1, $0x4;
	s8 =	sshll.u32 s6, $0x7;
	(pc) =	sbr.rel @p0 .LBB2_12-.Ltmp5, $4  }
0xe1: {  	s5 =	sor.u32 s1, s5;
	s1 =	smov.u32 s6;
	s4 =	sor.u32 s4, s8  }
0xe2: {  	s4 =	sor.u32 s7, s4;
	[tilespmem:s5+$0x0] =	vst v2  }
0xe3: {  	v2 =	vmov s4;
	v1 =	vld.idx.msk [tilespmem:v1+s24+$0x0], $0xffff  }
0xe4: {  	s3 =	sadd.s32 $0x20, s3;
	v2 =	vshll.u32 v2, $0x3  }
0xe5: {  	s3 =	sshll.u32 s31, $0x5;
	v2 =	vor.u32 v0, v2  }
0xe6: {  	s3 =	sand.u32 $0x3FFFFF80, s3  }
0xe7: {  	s0 =	sshll.u32 s0, $0x4;
	s3 =	sadd.s32 $0x18000, s3  }
0xe8: {  	s0 =	sor.u32 s0, s3  }
0xe9: {  	[tilespmem:s0+$0x0] =	vst v1  }
0xea: {  	v1 =	vld.idx.msk [tilespmem:v2+s24+$0x0], $0xffff  }
0xeb: {  	s31 =	simm.s32 $0x0  }
0xec: {  	s1 =	sshll.u32 s1, $0x4;
	s4 =	simm.s32 $0x0;
	s0 =	sand.u32 $0x2, s31  }
0xed: {  	s6 =	simm.s32 $0x0;
	s5 =	sand.u32 $0xE00, s4;
	s7 =	sshll.u32 s0, $0x7  }
0xee: {  	s6 =	sand.u32 $0xE, s6;
	s1 =	sor.u32 s1, s3;
	s8 =	sor.u32 s7, s5  }
0xef: {  	s7 =	sor.u32 s6, s8;
	[tilespmem:s1+$0x0] =	vst v1  }
0xf0: {  	v1 =	vmov s7;
	[hbm4b:s16+s4] =	stream.linear.scatter [tilespmem:s25], [sflag:$0x4], $0x2000, $0x38;
	[tilespmem:$0x1A000] =	vst v63  }
0xf1: {  	v1 =	vshll.u32 v1, $0x3;
	_ =	swait.ge [sflag:s26], $0x2000  }
0xf2: {  	s1 =	sor.u32 $0x1, s0;
	v1 =	vor.u32 v0, v1;
	[sflag:s26] =	ssyncset.done $0x0  }
0xf3: {  	s8 =	sshll.u32 s1, $0x7;
	[sflag:s26] =	ssyncadd.s32 $0xFFFFE000  }
0xf4: {  	s3 =	sor.u32 s5, s8;
	_ =	swait.ge [sflag:s23], $0x8000  }
0xf5: {  	s3 =	sor.u32 s6, s3;
	[sflag:s23] =	ssyncset.done $0x0  }
0xf6: {  	v2 =	vmov s3;
	[sflag:s23] =	ssyncadd.s32 $0xFFFF8000  }
0xf7: {  	s3 =	simm.s32 $0x20;
	v2 =	vshll.u32 v2, $0x3;
	v1 =	vld.idx.msk [tilespmem:v1+s2+$0x0], $0xffff  }
.LBB2_14:
0xf8: {  	s4 =	sand.u32 $0xE00, s3;
	s5 =	sshll.u32 s31, $0x5;
	s31 =	sadd.s32 $0x2, s31;
	v2 =	vor.u32 v0, v2  }
0xf9: {  	s6 =	sand.u32 $0x2, s31;
	s7 =	sshrl.u32 s31, $0x1;
	s5 =	sand.u32 $0x3FFFFF80, s5  }
0xfa: {  	s0 =	sshll.u32 s0, $0x4;
	s8 =	sshll.u32 s6, $0x7;
	s5 =	sadd.s32 $0x18000, s5  }
0xfb: {  	s7 =	sand.u32 $0xE, s7;
	s8 =	sor.u32 s8, s4;
	s0 =	sor.u32 s0, s5  }
0xfc: {  	p0 =	slt.u32 s31, $0xFE;
	s8 =	sor.u32 s7, s8;
	[tilespmem:s0+$0x0] =	vst v1;
	s0 =	smov.u32 s6  }
0xfd: {  	v1 =	vmov s8;
	v2 =	vld.idx.msk [tilespmem:v2+s2+$0x0], $0xffff  }
0xfe: {  	v1 =	vshll.u32 v1, $0x3  }
0xff: {  	v1 =	vor.u32 v0, v1  }
0x100: {  	s6 =	sor.u32 $0x1, s0  }
.Ltmp6:
0x101: {  	s1 =	sshll.u32 s1, $0x4;
	s8 =	sshll.u32 s6, $0x7;
	(pc) =	sbr.rel @p0 .LBB2_14-.Ltmp6, $4  }
0x102: {  	s5 =	sor.u32 s1, s5;
	s1 =	smov.u32 s6;
	s4 =	sor.u32 s4, s8  }
0x103: {  	s4 =	sor.u32 s7, s4;
	[tilespmem:s5+$0x0] =	vst v2  }
0x104: {  	v2 =	vmov s4;
	v1 =	vld.idx.msk [tilespmem:v1+s2+$0x0], $0xffff  }
0x105: {  	s3 =	sadd.s32 $0x20, s3;
	v2 =	vshll.u32 v2, $0x3  }
0x106: {  	s3 =	sshll.u32 s31, $0x5;
	v2 =	vor.u32 v0, v2  }
0x107: {  	s3 =	sand.u32 $0x3FFFFF80, s3  }
0x108: {  	s0 =	sshll.u32 s0, $0x4;
	s3 =	sadd.s32 $0x18000, s3  }
0x109: {  	s0 =	sor.u32 s0, s3  }
0x10a: {  	[tilespmem:s0+$0x0] =	vst v1  }
0x10b: {  	v1 =	vld.idx.msk [tilespmem:v2+s2+$0x0], $0xffff  }
0x10c: {  	s31 =	simm.s32 $0x0  }
0x10d: {  	s1 =	sshll.u32 s1, $0x4;
	s4 =	simm.s32 $0x0;
	s0 =	sand.u32 $0x2, s31  }
0x10e: {  	s6 =	simm.s32 $0x0;
	s5 =	sand.u32 $0xE00, s4;
	s7 =	sshll.u32 s0, $0x7  }
0x10f: {  	s6 =	sand.u32 $0xE, s6;
	s1 =	sor.u32 s1, s3;
	s8 =	sor.u32 s7, s5  }
0x110: {  	s7 =	sor.u32 s6, s8;
	[tilespmem:s1+$0x0] =	vst v1  }
0x111: {  	v1 =	vmov s7;
	[hbm4b:s17+s4] =	stream.linear.scatter [tilespmem:s25], [sflag:$0x4], $0x2000, $0x38;
	[tilespmem:$0x1A000] =	vst v63  }
0x112: {  	v1 =	vshll.u32 v1, $0x3;
	_ =	swait.ge [sflag:s26], $0x2000  }
0x113: {  	s1 =	sor.u32 $0x1, s0;
	v1 =	vor.u32 v0, v1;
	[sflag:s26] =	ssyncset.done $0x0  }
0x114: {  	s8 =	sshll.u32 s1, $0x7;
	[sflag:s26] =	ssyncadd.s32 $0xFFFFE000  }
0x115: {  	s3 =	sor.u32 s5, s8;
	_ =	swait.ge [sflag:s28], $0x8000  }
0x116: {  	s3 =	sor.u32 s6, s3;
	[sflag:s28] =	ssyncset.done $0x0  }
0x117: {  	v2 =	vmov s3;
	[sflag:s28] =	ssyncadd.s32 $0xFFFF8000  }
0x118: {  	s3 =	simm.s32 $0x20;
	v2 =	vshll.u32 v2, $0x3;
	v1 =	vld.idx.msk [tilespmem:v1+s22+$0x0], $0xffff  }
.LBB2_16:
0x119: {  	s4 =	sand.u32 $0xE00, s3;
	s5 =	sshll.u32 s31, $0x5;
	s31 =	sadd.s32 $0x2, s31;
	v2 =	vor.u32 v0, v2  }
0x11a: {  	s6 =	sand.u32 $0x2, s31;
	s7 =	sshrl.u32 s31, $0x1;
	s5 =	sand.u32 $0x3FFFFF80, s5  }
0x11b: {  	s0 =	sshll.u32 s0, $0x4;
	s8 =	sshll.u32 s6, $0x7;
	s5 =	sadd.s32 $0x18000, s5  }
0x11c: {  	s7 =	sand.u32 $0xE, s7;
	s8 =	sor.u32 s8, s4;
	s0 =	sor.u32 s0, s5  }
0x11d: {  	p0 =	slt.u32 s31, $0xFE;
	s8 =	sor.u32 s7, s8;
	[tilespmem:s0+$0x0] =	vst v1;
	s0 =	smov.u32 s6  }
0x11e: {  	v1 =	vmov s8;
	v2 =	vld.idx.msk [tilespmem:v2+s22+$0x0], $0xffff  }
0x11f: {  	v1 =	vshll.u32 v1, $0x3  }
0x120: {  	v1 =	vor.u32 v0, v1  }
0x121: {  	s6 =	sor.u32 $0x1, s0  }
.Ltmp7:
0x122: {  	s1 =	sshll.u32 s1, $0x4;
	s8 =	sshll.u32 s6, $0x7;
	(pc) =	sbr.rel @p0 .LBB2_16-.Ltmp7, $4  }
0x123: {  	s5 =	sor.u32 s1, s5;
	s1 =	smov.u32 s6;
	s4 =	sor.u32 s4, s8  }
0x124: {  	s4 =	sor.u32 s7, s4;
	[tilespmem:s5+$0x0] =	vst v2  }
0x125: {  	v2 =	vmov s4;
	v1 =	vld.idx.msk [tilespmem:v1+s22+$0x0], $0xffff  }
0x126: {  	s3 =	sadd.s32 $0x20, s3;
	v2 =	vshll.u32 v2, $0x3  }
0x127: {  	s3 =	sshll.u32 s31, $0x5;
	v2 =	vor.u32 v0, v2  }
0x128: {  	s3 =	sand.u32 $0x3FFFFF80, s3  }
0x129: {  	s0 =	sshll.u32 s0, $0x4;
	s3 =	sadd.s32 $0x18000, s3  }
0x12a: {  	s0 =	sor.u32 s0, s3  }
0x12b: {  	[tilespmem:s0+$0x0] =	vst v1  }
0x12c: {  	v1 =	vld.idx.msk [tilespmem:v2+s22+$0x0], $0xffff;
	_ =	sdelay $0x2  }
0x12d: {  	s31 =	sshll.u32 s1, $0x4;
	s30 =	sadd.s32 $0x1, s30  }
0x12e: {  	p0 =	sne.s32 s30, s19;
	s0 =	sor.u32 s31, s3  }
.Ltmp8:
0x12f: {  	[tilespmem:s0+$0x0] =	vst v1;
	(pc) =	sbr.rel @p0 .LBB2_1-.Ltmp8, $4  }
0x130: {  	[hbm4b:s18+s2] =	stream.linear.scatter [tilespmem:s25], [sflag:$0x4], $0x2000, $0x38;
	[tilespmem:$0x1A000] =	vst v63  }
0x131: {  	_ =	swait.ge [sflag:s26], $0x2000  }
0x132: {  	[sflag:s26] =	ssyncset.done $0x0  }
0x133: {  	[sflag:s26] =	ssyncadd.s32 $0xFFFFE000  }
0x134: {  	_ =	sfence.sel $0x180000  }
0x135: {  	[bflag:$0x0] =	sbarrier.arrive $0xFFFF  }
0x136: {  	_ =	strace $0x90000047  }
0x137: {  	s0 =	stileid.u32;
	[bflag:$0x2] =	sbarrier.arrive $0xFFFF  }
0x138: {  	p0 =	sne.s32 s0, $0x0;
	s0 =	rddreg [dreg:$0x2]  }
0x139: {  	s0 =	sadd.s32 @!p0 $0x100000, s0  }
0x13a: {  	[sflag:s0] =	ssyncadd.tile.s32 @!p0 $0x1;
	_ =	shalt  }
.Lfunc_end2:
_tile_overlayer_lowered:
.L_overlay_start_2:
0x13b: {  	(tag) =	ssettag $0x2  }
0x13c: {  	s0 =	rddreg [dreg:$0x0];
	s2 =	stileid.u32  }
0x13d: {  	s1 =	rddreg [dreg:$0x1];
	p0 =	sne.s32 s2, $0x0  }
0x13e: {  	s3 =	rddreg [dreg:$0x2];
	[bflag:$0x3] =	sbarrier.arrive $0xFFFF;
	s2 =	simm.s32 @!p0 $0x1C05  }
0x13f: {  	[timem:s3], [sflag:s2] =	dma.local @!p0 [hbm:s0], s1  }
0x140: {  	s0 =	simm.s32 @!p0 $0x5  }
0x141: {  	_ =	swait.ge @!p0 [sflag:s0], s1  }
0x142: {  	s1 =	ssub.s32 @!p0 $0x0, s1;
	[sflag:s0] =	ssyncset.done @!p0 $0x0  }
0x143: {  	[sflag:s0] =	ssyncadd.s32 @!p0 s1  }
0x144: {  	[bflag:$0x3] =	sbarrier.arrive $0xFFFF  }
0x145: {  	_ =	shalt  }

</sc_bundles>
